<compile_context>
chip_gen: v7x
topology: tpu7x:2x2x1
jax: 0.10.2.dev20260603
libtpu: 0.0.44.dev20260713+nightly
codegen_flags: <defaults>
</compile_context>

<pallas_src>
import functools
import math

import jax
import jax.numpy as jnp
from jax import lax
from jax.experimental import pallas as pl
from jax.experimental.pallas import tpu as pltpu
from jax.experimental.pallas import tpu_sc as plsc

VOCAB = 32000
PAD = 0
SMOOTH = 0.1
CONF = 1.0 - SMOOTH
EPS = SMOOTH / (VOCAB - 2)
ROW_TLOGT = SMOOTH * math.log(EPS) + CONF * math.log(CONF)

BR = 512
BC = 6400
LANES = 16


def _tc_body(t_ref, x_ref, out_ref):
    r = pl.program_id(0)
    c = pl.program_id(1)

    @pl.when(jnp.logical_and(r == 0, c == 0))
    def _init():
        out_ref[0, 0] = 0.0

    blk = x_ref[...]
    mask = (t_ref[...] != PAD).astype(jnp.float32)
    rowsum = jnp.sum(blk, axis=1)
    partial = -EPS * jnp.sum(mask * rowsum)

    def first_col_extra():
        return jnp.sum(mask * (ROW_TLOGT + EPS * blk[:, 0]))

    partial += jnp.where(c == 0, first_col_extra(), 0.0)
    out_ref[0, 0] += partial


def _tc_part(x, t1d):
    n = x.shape[0]
    grid = (n // BR, VOCAB // BC)
    out = pl.pallas_call(
        _tc_body,
        grid=grid,
        in_specs=[
            pl.BlockSpec((BR,), lambda r, c: (r,)),
            pl.BlockSpec((BR, BC), lambda r, c: (r, c)),
        ],
        out_specs=pl.BlockSpec(
            (1, 1), lambda r, c: (0, 0), memory_space=pltpu.SMEM),
        out_shape=jax.ShapeDtypeStruct((1, 1), jnp.float32),
        compiler_params=pltpu.CompilerParams(
            dimension_semantics=("arbitrary", "arbitrary")),
    )(t1d, x)
    return out[0, 0]


def _sc_gather(x, tgt, n):
    info = plsc.get_sparse_core_info()
    nc, ns = info.num_cores, info.num_subcores
    nw = nc * ns
    chunk = n // nw
    mesh = plsc.VectorSubcoreMesh(core_axis_name="c", subcore_axis_name="s")

    @functools.partial(
        pl.kernel, mesh=mesh,
        out_type=jax.ShapeDtypeStruct((nw, LANES), jnp.float32),
        scratch_types=[
            pltpu.VMEM((chunk,), jnp.int32),
            pltpu.VMEM((chunk, 128), jnp.float32),
            pltpu.VMEM((LANES,), jnp.float32),
            pltpu.SemaphoreType.DMA,
        ],
    )
    def sc(x_hbm, tgt_hbm, out_g, t_v, c_v, gs_v, sem):
        wid = lax.axis_index("s") * nc + lax.axis_index("c")
        base = wid * chunk
        pltpu.sync_copy(tgt_hbm.at[pl.ds(base, chunk)], t_v)
        ngroups = chunk // LANES

        def fire_group(g, carry):
            off = pl.multiple_of(g * LANES, LANES)
            t16 = t_v[pl.ds(off, LANES)]
            for k in range(LANES):
                t = t16[k]
                col_base = (t // 128) * 128
                pltpu.async_copy(
                    x_hbm.at[base + off + k, pl.ds(col_base, 128)],
                    c_v.at[off + k], sem)
            return carry

        lax.fori_loop(0, ngroups, fire_group, jnp.int32(0))
        pltpu.make_async_copy(
            x_hbm.at[pl.ds(0, chunk), pl.ds(0, 128)], c_v, sem).wait()
        lane_iota = lax.iota(jnp.int32, LANES)

        def extract_group(g, gacc):
            off = pl.multiple_of(g * LANES, LANES)
            t16 = t_v[pl.ds(off, LANES)]
            for k in range(LANES):
                t = t16[k]
                sub_off = pl.multiple_of(((t % 128) // LANES) * LANES, LANES)
                sub = c_v[off + k, pl.ds(sub_off, LANES)]
                sel = jnp.where(lane_iota == (t % LANES), sub, 0.0)
                mval = jnp.where(t != PAD, jnp.float32(1.0), jnp.float32(0.0))
                gacc = gacc + mval * sel
            return gacc

        gs_v[...] = lax.fori_loop(
            0, ngroups, extract_group, jnp.zeros((LANES,), jnp.float32))
        pltpu.sync_copy(gs_v, out_g.at[wid])

    return sc(x, tgt)


def kernel(x, target):
    n = x.shape[0]
    t32 = target.astype(jnp.int32)
    g_part = _sc_gather(x, t32, n)
    tc = _tc_part(x, t32)
    return (tc - (CONF - EPS) * jnp.sum(g_part)).astype(jnp.float32)

# --- scband reference (transcript-rebuilt; emitter-appended) ---
"""Pipeline reference for scband-label-smoothing-18176301596974 (READ-ONLY COPY).

The authoritative reference and input builder live on the scoring server;
editing this copy changes nothing except your own understanding.
"""

import jax, jax.numpy as jnp
import numpy as np

SIZE = 32000
PADDING_IDX = 0
SMOOTHING = 0.1
CONFIDENCE = 1.0 - SMOOTHING


def setup_inputs(seed: int = 0) -> dict:
    key = jax.random.key(seed)
    k1, k2 = jax.random.split(key)
    N = 2048
    # x plays the role of log-probabilities fed to KLDivLoss
    x = jax.random.normal(k1, (N, SIZE), dtype=jnp.float32)
    target = jax.random.randint(k2, (N,), 0, SIZE, dtype=jnp.int64)
    return {"x": x, "target": target}


def reference(x, target):
    N = x.shape[0]
    # true_dist = smoothing/(size-2) everywhere
    true_dist = jnp.full(x.shape, SMOOTHING / (SIZE - 2), dtype=x.dtype)
    # scatter confidence at the target class per row (scatter-overwrite)
    rows = jnp.arange(N)
    true_dist = true_dist.at[rows, target].set(jnp.asarray(CONFIDENCE, dtype=x.dtype))
    # zero out the padding column
    true_dist = true_dist.at[:, PADDING_IDX].set(0.0)
    # zero out rows whose target is the padding index (index_fill_ over nonzero mask)
    pad_mask = (target == PADDING_IDX)
    true_dist = jnp.where(pad_mask[:, None], 0.0, true_dist)
    # KLDivLoss(reduction='sum'): sum over all elements of t*(log t - x), with 0*log(0)=0
    t_log_t = jnp.where(true_dist > 0, true_dist * jnp.log(jnp.where(true_dist > 0, true_dist, 1.0)), 0.0)
    loss = jnp.sum(t_log_t - true_dist * x)
    return loss

if __name__ == "__main__":
    import jax
    _d = setup_inputs()
    print(jax.jit(kernel)(*tuple(_d.values())))

</pallas_src>

<mosaic_0001>
#map = affine_map<(d0, d1) -> (0, 0)>
#map1 = affine_map<(d0, d1) -> (0)>
module attributes {stable_mosaic.version = 14 : i64} {
  func.func @sc(%arg0: i32, %arg1: i32, %arg2: memref<2048x32000xf32, #tpu.memory_space<hbm>>, %arg3: memref<2048xi32, #tpu.memory_space<hbm>>, %arg4: memref<32x16xf32, #tpu.memory_space<hbm>>, %arg5: memref<64xi32, #tpu.memory_space<vmem>>, %arg6: memref<64x128xf32, #tpu.memory_space<vmem>>, %arg7: memref<16xf32, #tpu.memory_space<vmem>>, %arg8: memref<!tpu.dma_semaphore, #tpu.memory_space<semaphore_mem>>) attributes {dimension_semantics = [#tpu.dimension_semantics<core_parallel>, #tpu.dimension_semantics<subcore_parallel>], iteration_bounds = array<i64: 2, 16>, scalar_prefetch = 0 : i64, scratch_operands = 4 : i64, tpu.core_type = #tpu.core_type<sc_vector_subcore>, window_params = [{transform_indices = #map}, {transform_indices = #map1}, {transform_indices = #map}]} {
    %mul3A = arith.constant 2 : i32
    %mul3A_0 = arith.muli %arg1, %mul3A : i32
    %add3A = arith.addi %mul3A_0, %arg0 : i32
    %mul3A_1 = arith.constant 64 : i32
    %mul3A_2 = arith.muli %add3A, %mul3A_1 : i32
    "tpu.region"() ({
      %run_scoped3A = tpu.sem_alloc : memref<!tpu.dma_semaphore, #tpu.memory_space<semaphore_mem>>
      %dma_start3A = tpu.memref_slice %arg3[%mul3A_2] : memref<2048xi32, #tpu.memory_space<hbm>> -> memref<64xi32, #tpu.memory_space<hbm>>
      %dma_start3A_23 = tpu.memref_slice %arg3[%mul3A_2] : memref<2048xi32, #tpu.memory_space<hbm>> -> memref<64xi32, #tpu.memory_space<hbm>>
      tpu.enqueue_dma source(%dma_start3A_23 : memref<64xi32, #tpu.memory_space<hbm>>) target(%arg5 : memref<64xi32, #tpu.memory_space<vmem>>) target_semaphore(%run_scoped3A : memref<!tpu.dma_semaphore, #tpu.memory_space<semaphore_mem>>)
      %dma_wait3A_24 = tpu.memref_slice %arg3[%mul3A_2] : memref<2048xi32, #tpu.memory_space<hbm>> -> memref<64xi32, #tpu.memory_space<hbm>>
      %dma_wait3A_25 = tpu.memref_slice %arg3[%mul3A_2] : memref<2048xi32, #tpu.memory_space<hbm>> -> memref<64xi32, #tpu.memory_space<hbm>>
      tpu.wait_dma2 semaphore(%run_scoped3A : memref<!tpu.dma_semaphore, #tpu.memory_space<semaphore_mem>>) src(%dma_wait3A_25 : memref<64xi32, #tpu.memory_space<hbm>>) dst(%arg5 : memref<64xi32, #tpu.memory_space<vmem>>)
      tpu.yield
    }) : () -> ()
    %scan3A = arith.constant 0 : i32
    %scan3A_3 = arith.constant 0 : i32
    %scan3A_4 = arith.constant 4 : i32
    %scan3A_5 = arith.addi %scan3A_3, %scan3A_4 : i32
    %scan3A_6 = arith.constant 1 : i32
    scf.for %scan3A_23 = %scan3A_3 to %scan3A_5 step %scan3A_6  : i32 {
      %mul3A_24 = arith.constant 16 : i32
      %mul3A_25 = arith.muli %scan3A_23, %mul3A_24 : i32
      %multiple_of3A = tpu.assume_multiple %mul3A_25, 16 : i32
      %get3A = arith.index_cast %multiple_of3A : i32 to index
      %get3A_26 = tpu.vector_load %arg5[%get3A] {strides = array<i32>} : memref<64xi32, #tpu.memory_space<vmem>>, vector<16xi32>,
      %get3A_27 = vector.shape_cast %get3A_26 : vector<16xi32> to vector<16xi32>
      %slice3A = vector.extract_strided_slice %get3A_27 {offsets = [0], sizes = [1], strides = [1]} : vector<16xi32> to vector<1xi32>
      %squeeze3A = vector.extract %slice3A[0] : i32 from vector<1xi32>
      %jit3A = arith.constant 128 : i32
      %div3A = arith.divsi %squeeze3A, %jit3A : i32
      %sign3A = arith.constant 0 : i32
      %sign3A_28 = arith.cmpi sgt, %squeeze3A, %sign3A : i32
      %sign3A_29 = arith.extui %sign3A_28 : i1 to i32
      %sign3A_30 = arith.constant 0 : i32
      %sign3A_31 = arith.cmpi slt, %squeeze3A, %sign3A_30 : i32
      %sign3A_32 = arith.extui %sign3A_31 : i1 to i32
      %sign3A_33 = arith.subi %sign3A_29, %sign3A_32 : i32
      %sign3A_34 = arith.constant 0 : i32
      %sign3A_35 = arith.cmpi sgt, %jit3A, %sign3A_34 : i32
      %sign3A_36 = arith.extui %sign3A_35 : i1 to i32
      %sign3A_37 = arith.constant 0 : i32
      %sign3A_38 = arith.cmpi slt, %jit3A, %sign3A_37 : i32
      %sign3A_39 = arith.extui %sign3A_38 : i1 to i32
      %sign3A_40 = arith.subi %sign3A_36, %sign3A_39 : i32
      %ne3A = arith.cmpi ne, %sign3A_33, %sign3A_40 : i32
      %rem3A = arith.remsi %squeeze3A, %jit3A : i32
      %ne3A_41 = arith.constant 0 : i32
      %ne3A_42 = arith.cmpi ne, %rem3A, %ne3A_41 : i32
      %and3A = arith.andi %ne3A, %ne3A_42 : i1
      %sub3A = arith.constant 1 : i32
      %sub3A_43 = arith.subi %div3A, %sub3A : i32
      %select_n3A = arith.select %and3A, %sub3A_43, %div3A : i32
      %mul3A_44 = arith.constant 128 : i32
      %mul3A_45 = arith.muli %select_n3A, %mul3A_44 : i32
      %add3A_46 = arith.addi %mul3A_2, %multiple_of3A : i32
      %add3A_47 = arith.constant 0 : i32
      %add3A_48 = arith.addi %add3A_46, %add3A_47 : i32
      %add3A_49 = arith.constant 0 : i32
      %add3A_50 = arith.addi %multiple_of3A, %add3A_49 : i32
      %dma_start3A = arith.constant 0 : i32
      %dma_start3A_51 = tpu.memref_slice %arg6[%add3A_50, %dma_start3A] : memref<64x128xf32, #tpu.memory_space<vmem>> -> memref<1x128xf32, #tpu.memory_space<vmem>>
      %dma_start3A_52 = tpu.memref_squeeze %dma_start3A_51 : memref<1x128xf32, #tpu.memory_space<vmem>> -> memref<128xf32, #tpu.memory_space<vmem>>
      %dma_start3A_53 = tpu.memref_slice %arg2[%add3A_48, %mul3A_45] : memref<2048x32000xf32, #tpu.memory_space<hbm>> -> memref<1x128xf32, #tpu.memory_space<hbm>>
      %dma_start3A_54 = tpu.memref_squeeze %dma_start3A_53 : memref<1x128xf32, #tpu.memory_space<hbm>> -> memref<128xf32, #tpu.memory_space<hbm>>
      %dma_start3A_55 = arith.constant 0 : i32
      %dma_start3A_56 = tpu.memref_slice %arg6[%add3A_50, %dma_start3A_55] : memref<64x128xf32, #tpu.memory_space<vmem>> -> memref<1x128xf32, #tpu.memory_space<vmem>>
      %dma_start3A_57 = tpu.memref_squeeze %dma_start3A_56 : memref<1x128xf32, #tpu.memory_space<vmem>> -> memref<128xf32, #tpu.memory_space<vmem>>
      %dma_start3A_58 = tpu.memref_slice %arg2[%add3A_48, %mul3A_45] : memref<2048x32000xf32, #tpu.memory_space<hbm>> -> memref<1x128xf32, #tpu.memory_space<hbm>>
      %dma_start3A_59 = tpu.memref_squeeze %dma_start3A_58 : memref<1x128xf32, #tpu.memory_space<hbm>> -> memref<128xf32, #tpu.memory_space<hbm>>
      tpu.enqueue_dma source(%dma_start3A_59 : memref<128xf32, #tpu.memory_space<hbm>>) target(%dma_start3A_57 : memref<128xf32, #tpu.memory_space<vmem>>) target_semaphore(%arg8 : memref<!tpu.dma_semaphore, #tpu.memory_space<semaphore_mem>>)
      %slice3A_60 = vector.extract_strided_slice %get3A_27 {offsets = [1], sizes = [1], strides = [1]} : vector<16xi32> to vector<1xi32>
      %squeeze3A_61 = vector.extract %slice3A_60[0] : i32 from vector<1xi32>
      %jit3A_62 = arith.constant 128 : i32
      %div3A_63 = arith.divsi %squeeze3A_61, %jit3A_62 : i32
      %sign3A_64 = arith.constant 0 : i32
      %sign3A_65 = arith.cmpi sgt, %squeeze3A_61, %sign3A_64 : i32
      %sign3A_66 = arith.extui %sign3A_65 : i1 to i32
      %sign3A_67 = arith.constant 0 : i32
      %sign3A_68 = arith.cmpi slt, %squeeze3A_61, %sign3A_67 : i32
      %sign3A_69 = arith.extui %sign3A_68 : i1 to i32
      %sign3A_70 = arith.subi %sign3A_66, %sign3A_69 : i32
      %sign3A_71 = arith.constant 0 : i32
      %sign3A_72 = arith.cmpi sgt, %jit3A_62, %sign3A_71 : i32
      %sign3A_73 = arith.extui %sign3A_72 : i1 to i32
      %sign3A_74 = arith.constant 0 : i32
      %sign3A_75 = arith.cmpi slt, %jit3A_62, %sign3A_74 : i32
      %sign3A_76 = arith.extui %sign3A_75 : i1 to i32
      %sign3A_77 = arith.subi %sign3A_73, %sign3A_76 : i32
      %ne3A_78 = arith.cmpi ne, %sign3A_70, %sign3A_77 : i32
      %rem3A_79 = arith.remsi %squeeze3A_61, %jit3A_62 : i32
      %ne3A_80 = arith.constant 0 : i32
      %ne3A_81 = arith.cmpi ne, %rem3A_79, %ne3A_80 : i32
      %and3A_82 = arith.andi %ne3A_78, %ne3A_81 : i1
      %sub3A_83 = arith.constant 1 : i32
      %sub3A_84 = arith.subi %div3A_63, %sub3A_83 : i32
      %select_n3A_85 = arith.select %and3A_82, %sub3A_84, %div3A_63 : i32
      %mul3A_86 = arith.constant 128 : i32
      %mul3A_87 = arith.muli %select_n3A_85, %mul3A_86 : i32
      %add3A_88 = arith.addi %mul3A_2, %multiple_of3A : i32
      %add3A_89 = arith.constant 1 : i32
      %add3A_90 = arith.addi %add3A_88, %add3A_89 : i32
      %add3A_91 = arith.constant 1 : i32
      %add3A_92 = arith.addi %multiple_of3A, %add3A_91 : i32
      %dma_start3A_93 = arith.constant 0 : i32
      %dma_start3A_94 = tpu.memref_slice %arg6[%add3A_92, %dma_start3A_93] : memref<64x128xf32, #tpu.memory_space<vmem>> -> memref<1x128xf32, #tpu.memory_space<vmem>>
      %dma_start3A_95 = tpu.memref_squeeze %dma_start3A_94 : memref<1x128xf32, #tpu.memory_space<vmem>> -> memref<128xf32, #tpu.memory_space<vmem>>
      %dma_start3A_96 = tpu.memref_slice %arg2[%add3A_90, %mul3A_87] : memref<2048x32000xf32, #tpu.memory_space<hbm>> -> memref<1x128xf32, #tpu.memory_space<hbm>>
      %dma_start3A_97 = tpu.memref_squeeze %dma_start3A_96 : memref<1x128xf32, #tpu.memory_space<hbm>> -> memref<128xf32, #tpu.memory_space<hbm>>
      %dma_start3A_98 = arith.constant 0 : i32
      %dma_start3A_99 = tpu.memref_slice %arg6[%add3A_92, %dma_start3A_98] : memref<64x128xf32, #tpu.memory_space<vmem>> -> memref<1x128xf32, #tpu.memory_space<vmem>>
      %dma_start3A_100 = tpu.memref_squeeze %dma_start3A_99 : memref<1x128xf32, #tpu.memory_space<vmem>> -> memref<128xf32, #tpu.memory_space<vmem>>
      %dma_start3A_101 = tpu.memref_slice %arg2[%add3A_90, %mul3A_87] : memref<2048x32000xf32, #tpu.memory_space<hbm>> -> memref<1x128xf32, #tpu.memory_space<hbm>>
      %dma_start3A_102 = tpu.memref_squeeze %dma_start3A_101 : memref<1x128xf32, #tpu.memory_space<hbm>> -> memref<128xf32, #tpu.memory_space<hbm>>
      tpu.enqueue_dma source(%dma_start3A_102 : memref<128xf32, #tpu.memory_space<hbm>>) target(%dma_start3A_100 : memref<128xf32, #tpu.memory_space<vmem>>) target_semaphore(%arg8 : memref<!tpu.dma_semaphore, #tpu.memory_space<semaphore_mem>>)
      %slice3A_103 = vector.extract_strided_slice %get3A_27 {offsets = [2], sizes = [1], strides = [1]} : vector<16xi32> to vector<1xi32>
      %squeeze3A_104 = vector.extract %slice3A_103[0] : i32 from vector<1xi32>
      %jit3A_105 = arith.constant 128 : i32
      %div3A_106 = arith.divsi %squeeze3A_104, %jit3A_105 : i32
      %sign3A_107 = arith.constant 0 : i32
      %sign3A_108 = arith.cmpi sgt, %squeeze3A_104, %sign3A_107 : i32
      %sign3A_109 = arith.extui %sign3A_108 : i1 to i32
      %sign3A_110 = arith.constant 0 : i32
      %sign3A_111 = arith.cmpi slt, %squeeze3A_104, %sign3A_110 : i32
      %sign3A_112 = arith.extui %sign3A_111 : i1 to i32
      %sign3A_113 = arith.subi %sign3A_109, %sign3A_112 : i32
      %sign3A_114 = arith.constant 0 : i32
      %sign3A_115 = arith.cmpi sgt, %jit3A_105, %sign3A_114 : i32
      %sign3A_116 = arith.extui %sign3A_115 : i1 to i32
      %sign3A_117 = arith.constant 0 : i32
      %sign3A_118 = arith.cmpi slt, %jit3A_105, %sign3A_117 : i32
      %sign3A_119 = arith.extui %sign3A_118 : i1 to i32
      %sign3A_120 = arith.subi %sign3A_116, %sign3A_119 : i32
      %ne3A_121 = arith.cmpi ne, %sign3A_113, %sign3A_120 : i32
      %rem3A_122 = arith.remsi %squeeze3A_104, %jit3A_105 : i32
      %ne3A_123 = arith.constant 0 : i32
      %ne3A_124 = arith.cmpi ne, %rem3A_122, %ne3A_123 : i32
      %and3A_125 = arith.andi %ne3A_121, %ne3A_124 : i1
      %sub3A_126 = arith.constant 1 : i32
      %sub3A_127 = arith.subi %div3A_106, %sub3A_126 : i32
      %select_n3A_128 = arith.select %and3A_125, %sub3A_127, %div3A_106 : i32
      %mul3A_129 = arith.constant 128 : i32
      %mul3A_130 = arith.muli %select_n3A_128, %mul3A_129 : i32
      %add3A_131 = arith.addi %mul3A_2, %multiple_of3A : i32
      %add3A_132 = arith.constant 2 : i32
      %add3A_133 = arith.addi %add3A_131, %add3A_132 : i32
      %add3A_134 = arith.constant 2 : i32
      %add3A_135 = arith.addi %multiple_of3A, %add3A_134 : i32
      %dma_start3A_136 = arith.constant 0 : i32
      %dma_start3A_137 = tpu.memref_slice %arg6[%add3A_135, %dma_start3A_136] : memref<64x128xf32, #tpu.memory_space<vmem>> -> memref<1x128xf32, #tpu.memory_space<vmem>>
      %dma_start3A_138 = tpu.memref_squeeze %dma_start3A_137 : memref<1x128xf32, #tpu.memory_space<vmem>> -> memref<128xf32, #tpu.memory_space<vmem>>
      %dma_start3A_139 = tpu.memref_slice %arg2[%add3A_133, %mul3A_130] : memref<2048x32000xf32, #tpu.memory_space<hbm>> -> memref<1x128xf32, #tpu.memory_space<hbm>>
      %dma_start3A_140 = tpu.memref_squeeze %dma_start3A_139 : memref<1x128xf32, #tpu.memory_space<hbm>> -> memref<128xf32, #tpu.memory_space<hbm>>
      %dma_start3A_141 = arith.constant 0 : i32
      %dma_start3A_142 = tpu.memref_slice %arg6[%add3A_135, %dma_start3A_141] : memref<64x128xf32, #tpu.memory_space<vmem>> -> memref<1x128xf32, #tpu.memory_space<vmem>>
      %dma_start3A_143 = tpu.memref_squeeze %dma_start3A_142 : memref<1x128xf32, #tpu.memory_space<vmem>> -> memref<128xf32, #tpu.memory_space<vmem>>
      %dma_start3A_144 = tpu.memref_slice %arg2[%add3A_133, %mul3A_130] : memref<2048x32000xf32, #tpu.memory_space<hbm>> -> memref<1x128xf32, #tpu.memory_space<hbm>>
      %dma_start3A_145 = tpu.memref_squeeze %dma_start3A_144 : memref<1x128xf32, #tpu.memory_space<hbm>> -> memref<128xf32, #tpu.memory_space<hbm>>
      tpu.enqueue_dma source(%dma_start3A_145 : memref<128xf32, #tpu.memory_space<hbm>>) target(%dma_start3A_143 : memref<128xf32, #tpu.memory_space<vmem>>) target_semaphore(%arg8 : memref<!tpu.dma_semaphore, #tpu.memory_space<semaphore_mem>>)
      %slice3A_146 = vector.extract_strided_slice %get3A_27 {offsets = [3], sizes = [1], strides = [1]} : vector<16xi32> to vector<1xi32>
      %squeeze3A_147 = vector.extract %slice3A_146[0] : i32 from vector<1xi32>
      %jit3A_148 = arith.constant 128 : i32
      %div3A_149 = arith.divsi %squeeze3A_147, %jit3A_148 : i32
      %sign3A_150 = arith.constant 0 : i32
      %sign3A_151 = arith.cmpi sgt, %squeeze3A_147, %sign3A_150 : i32
      %sign3A_152 = arith.extui %sign3A_151 : i1 to i32
      %sign3A_153 = arith.constant 0 : i32
      %sign3A_154 = arith.cmpi slt, %squeeze3A_147, %sign3A_153 : i32
      %sign3A_155 = arith.extui %sign3A_154 : i1 to i32
      %sign3A_156 = arith.subi %sign3A_152, %sign3A_155 : i32
      %sign3A_157 = arith.constant 0 : i32
      %sign3A_158 = arith.cmpi sgt, %jit3A_148, %sign3A_157 : i32
      %sign3A_159 = arith.extui %sign3A_158 : i1 to i32
      %sign3A_160 = arith.constant 0 : i32
      %sign3A_161 = arith.cmpi slt, %jit3A_148, %sign3A_160 : i32
      %sign3A_162 = arith.extui %sign3A_161 : i1 to i32
      %sign3A_163 = arith.subi %sign3A_159, %sign3A_162 : i32
      %ne3A_164 = arith.cmpi ne, %sign3A_156, %sign3A_163 : i32
      %rem3A_165 = arith.remsi %squeeze3A_147, %jit3A_148 : i32
      %ne3A_166 = arith.constant 0 : i32
      %ne3A_167 = arith.cmpi ne, %rem3A_165, %ne3A_166 : i32
      %and3A_168 = arith.andi %ne3A_164, %ne3A_167 : i1
      %sub3A_169 = arith.constant 1 : i32
      %sub3A_170 = arith.subi %div3A_149, %sub3A_169 : i32
      %select_n3A_171 = arith.select %and3A_168, %sub3A_170, %div3A_149 : i32
      %mul3A_172 = arith.constant 128 : i32
      %mul3A_173 = arith.muli %select_n3A_171, %mul3A_172 : i32
      %add3A_174 = arith.addi %mul3A_2, %multiple_of3A : i32
      %add3A_175 = arith.constant 3 : i32
      %add3A_176 = arith.addi %add3A_174, %add3A_175 : i32
      %add3A_177 = arith.constant 3 : i32
      %add3A_178 = arith.addi %multiple_of3A, %add3A_177 : i32
      %dma_start3A_179 = arith.constant 0 : i32
      %dma_start3A_180 = tpu.memref_slice %arg6[%add3A_178, %dma_start3A_179] : memref<64x128xf32, #tpu.memory_space<vmem>> -> memref<1x128xf32, #tpu.memory_space<vmem>>
      %dma_start3A_181 = tpu.memref_squeeze %dma_start3A_180 : memref<1x128xf32, #tpu.memory_space<vmem>> -> memref<128xf32, #tpu.memory_space<vmem>>
      %dma_start3A_182 = tpu.memref_slice %arg2[%add3A_176, %mul3A_173] : memref<2048x32000xf32, #tpu.memory_space<hbm>> -> memref<1x128xf32, #tpu.memory_space<hbm>>
      %dma_start3A_183 = tpu.memref_squeeze %dma_start3A_182 : memref<1x128xf32, #tpu.memory_space<hbm>> -> memref<128xf32, #tpu.memory_space<hbm>>
      %dma_start3A_184 = arith.constant 0 : i32
      %dma_start3A_185 = tpu.memref_slice %arg6[%add3A_178, %dma_start3A_184] : memref<64x128xf32, #tpu.memory_space<vmem>> -> memref<1x128xf32, #tpu.memory_space<vmem>>
      %dma_start3A_186 = tpu.memref_squeeze %dma_start3A_185 : memref<1x128xf32, #tpu.memory_space<vmem>> -> memref<128xf32, #tpu.memory_space<vmem>>
      %dma_start3A_187 = tpu.memref_slice %arg2[%add3A_176, %mul3A_173] : memref<2048x32000xf32, #tpu.memory_space<hbm>> -> memref<1x128xf32, #tpu.memory_space<hbm>>
      %dma_start3A_188 = tpu.memref_squeeze %dma_start3A_187 : memref<1x128xf32, #tpu.memory_space<hbm>> -> memref<128xf32, #tpu.memory_space<hbm>>
      tpu.enqueue_dma source(%dma_start3A_188 : memref<128xf32, #tpu.memory_space<hbm>>) target(%dma_start3A_186 : memref<128xf32, #tpu.memory_space<vmem>>) target_semaphore(%arg8 : memref<!tpu.dma_semaphore, #tpu.memory_space<semaphore_mem>>)
      %slice3A_189 = vector.extract_strided_slice %get3A_27 {offsets = [4], sizes = [1], strides = [1]} : vector<16xi32> to vector<1xi32>
      %squeeze3A_190 = vector.extract %slice3A_189[0] : i32 from vector<1xi32>
      %jit3A_191 = arith.constant 128 : i32
      %div3A_192 = arith.divsi %squeeze3A_190, %jit3A_191 : i32
      %sign3A_193 = arith.constant 0 : i32
      %sign3A_194 = arith.cmpi sgt, %squeeze3A_190, %sign3A_193 : i32
      %sign3A_195 = arith.extui %sign3A_194 : i1 to i32
      %sign3A_196 = arith.constant 0 : i32
      %sign3A_197 = arith.cmpi slt, %squeeze3A_190, %sign3A_196 : i32
      %sign3A_198 = arith.extui %sign3A_197 : i1 to i32
      %sign3A_199 = arith.subi %sign3A_195, %sign3A_198 : i32
      %sign3A_200 = arith.constant 0 : i32
      %sign3A_201 = arith.cmpi sgt, %jit3A_191, %sign3A_200 : i32
      %sign3A_202 = arith.extui %sign3A_201 : i1 to i32
      %sign3A_203 = arith.constant 0 : i32
      %sign3A_204 = arith.cmpi slt, %jit3A_191, %sign3A_203 : i32
      %sign3A_205 = arith.extui %sign3A_204 : i1 to i32
      %sign3A_206 = arith.subi %sign3A_202, %sign3A_205 : i32
      %ne3A_207 = arith.cmpi ne, %sign3A_199, %sign3A_206 : i32
      %rem3A_208 = arith.remsi %squeeze3A_190, %jit3A_191 : i32
      %ne3A_209 = arith.constant 0 : i32
      %ne3A_210 = arith.cmpi ne, %rem3A_208, %ne3A_209 : i32
      %and3A_211 = arith.andi %ne3A_207, %ne3A_210 : i1
      %sub3A_212 = arith.constant 1 : i32
      %sub3A_213 = arith.subi %div3A_192, %sub3A_212 : i32
      %select_n3A_214 = arith.select %and3A_211, %sub3A_213, %div3A_192 : i32
      %mul3A_215 = arith.constant 128 : i32
      %mul3A_216 = arith.muli %select_n3A_214, %mul3A_215 : i32
      %add3A_217 = arith.addi %mul3A_2, %multiple_of3A : i32
      %add3A_218 = arith.constant 4 : i32
      %add3A_219 = arith.addi %add3A_217, %add3A_218 : i32
      %add3A_220 = arith.constant 4 : i32
      %add3A_221 = arith.addi %multiple_of3A, %add3A_220 : i32
      %dma_start3A_222 = arith.constant 0 : i32
      %dma_start3A_223 = tpu.memref_slice %arg6[%add3A_221, %dma_start3A_222] : memref<64x128xf32, #tpu.memory_space<vmem>> -> memref<1x128xf32, #tpu.memory_space<vmem>>
      %dma_start3A_224 = tpu.memref_squeeze %dma_start3A_223 : memref<1x128xf32, #tpu.memory_space<vmem>> -> memref<128xf32, #tpu.memory_space<vmem>>
      %dma_start3A_225 = tpu.memref_slice %arg2[%add3A_219, %mul3A_216] : memref<2048x32000xf32, #tpu.memory_space<hbm>> -> memref<1x128xf32, #tpu.memory_space<hbm>>
      %dma_start3A_226 = tpu.memref_squeeze %dma_start3A_225 : memref<1x128xf32, #tpu.memory_space<hbm>> -> memref<128xf32, #tpu.memory_space<hbm>>
      %dma_start3A_227 = arith.constant 0 : i32
      %dma_start3A_228 = tpu.memref_slice %arg6[%add3A_221, %dma_start3A_227] : memref<64x128xf32, #tpu.memory_space<vmem>> -> memref<1x128xf32, #tpu.memory_space<vmem>>
      %dma_start3A_229 = tpu.memref_squeeze %dma_start3A_228 : memref<1x128xf32, #tpu.memory_space<vmem>> -> memref<128xf32, #tpu.memory_space<vmem>>
      %dma_start3A_230 = tpu.memref_slice %arg2[%add3A_219, %mul3A_216] : memref<2048x32000xf32, #tpu.memory_space<hbm>> -> memref<1x128xf32, #tpu.memory_space<hbm>>
      %dma_start3A_231 = tpu.memref_squeeze %dma_start3A_230 : memref<1x128xf32, #tpu.memory_space<hbm>> -> memref<128xf32, #tpu.memory_space<hbm>>
      tpu.enqueue_dma source(%dma_start3A_231 : memref<128xf32, #tpu.memory_space<hbm>>) target(%dma_start3A_229 : memref<128xf32, #tpu.memory_space<vmem>>) target_semaphore(%arg8 : memref<!tpu.dma_semaphore, #tpu.memory_space<semaphore_mem>>)
      %slice3A_232 = vector.extract_strided_slice %get3A_27 {offsets = [5], sizes = [1], strides = [1]} : vector<16xi32> to vector<1xi32>
      %squeeze3A_233 = vector.extract %slice3A_232[0] : i32 from vector<1xi32>
      %jit3A_234 = arith.constant 128 : i32
      %div3A_235 = arith.divsi %squeeze3A_233, %jit3A_234 : i32
      %sign3A_236 = arith.constant 0 : i32
      %sign3A_237 = arith.cmpi sgt, %squeeze3A_233, %sign3A_236 : i32
      %sign3A_238 = arith.extui %sign3A_237 : i1 to i32
      %sign3A_239 = arith.constant 0 : i32
      %sign3A_240 = arith.cmpi slt, %squeeze3A_233, %sign3A_239 : i32
      %sign3A_241 = arith.extui %sign3A_240 : i1 to i32
      %sign3A_242 = arith.subi %sign3A_238, %sign3A_241 : i32
      %sign3A_243 = arith.constant 0 : i32
      %sign3A_244 = arith.cmpi sgt, %jit3A_234, %sign3A_243 : i32
      %sign3A_245 = arith.extui %sign3A_244 : i1 to i32
      %sign3A_246 = arith.constant 0 : i32
      %sign3A_247 = arith.cmpi slt, %jit3A_234, %sign3A_246 : i32
      %sign3A_248 = arith.extui %sign3A_247 : i1 to i32
      %sign3A_249 = arith.subi %sign3A_245, %sign3A_248 : i32
      %ne3A_250 = arith.cmpi ne, %sign3A_242, %sign3A_249 : i32
      %rem3A_251 = arith.remsi %squeeze3A_233, %jit3A_234 : i32
      %ne3A_252 = arith.constant 0 : i32
      %ne3A_253 = arith.cmpi ne, %rem3A_251, %ne3A_252 : i32
      %and3A_254 = arith.andi %ne3A_250, %ne3A_253 : i1
      %sub3A_255 = arith.constant 1 : i32
      %sub3A_256 = arith.subi %div3A_235, %sub3A_255 : i32
      %select_n3A_257 = arith.select %and3A_254, %sub3A_256, %div3A_235 : i32
      %mul3A_258 = arith.constant 128 : i32
      %mul3A_259 = arith.muli %select_n3A_257, %mul3A_258 : i32
      %add3A_260 = arith.addi %mul3A_2, %multiple_of3A : i32
      %add3A_261 = arith.constant 5 : i32
      %add3A_262 = arith.addi %add3A_260, %add3A_261 : i32
      %add3A_263 = arith.constant 5 : i32
      %add3A_264 = arith.addi %multiple_of3A, %add3A_263 : i32
      %dma_start3A_265 = arith.constant 0 : i32
      %dma_start3A_266 = tpu.memref_slice %arg6[%add3A_264, %dma_start3A_265] : memref<64x128xf32, #tpu.memory_space<vmem>> -> memref<1x128xf32, #tpu.memory_space<vmem>>
      %dma_start3A_267 = tpu.memref_squeeze %dma_start3A_266 : memref<1x128xf32, #tpu.memory_space<vmem>> -> memref<128xf32, #tpu.memory_space<vmem>>
      %dma_start3A_268 = tpu.memref_slice %arg2[%add3A_262, %mul3A_259] : memref<2048x32000xf32, #tpu.memory_space<hbm>> -> memref<1x128xf32, #tpu.memory_space<hbm>>
      %dma_start3A_269 = tpu.memref_squeeze %dma_start3A_268 : memref<1x128xf32, #tpu.memory_space<hbm>> -> memref<128xf32, #tpu.memory_space<hbm>>
      %dma_start3A_270 = arith.constant 0 : i32
      %dma_start3A_271 = tpu.memref_slice %arg6[%add3A_264, %dma_start3A_270] : memref<64x128xf32, #tpu.memory_space<vmem>> -> memref<1x128xf32, #tpu.memory_space<vmem>>
      %dma_start3A_272 = tpu.memref_squeeze %dma_start3A_271 : memref<1x128xf32, #tpu.memory_space<vmem>> -> memref<128xf32, #tpu.memory_space<vmem>>
      %dma_start3A_273 = tpu.memref_slice %arg2[%add3A_262, %mul3A_259] : memref<2048x32000xf32, #tpu.memory_space<hbm>> -> memref<1x128xf32, #tpu.memory_space<hbm>>
      %dma_start3A_274 = tpu.memref_squeeze %dma_start3A_273 : memref<1x128xf32, #tpu.memory_space<hbm>> -> memref<128xf32, #tpu.memory_space<hbm>>
      tpu.enqueue_dma source(%dma_start3A_274 : memref<128xf32, #tpu.memory_space<hbm>>) target(%dma_start3A_272 : memref<128xf32, #tpu.memory_space<vmem>>) target_semaphore(%arg8 : memref<!tpu.dma_semaphore, #tpu.memory_space<semaphore_mem>>)
      %slice3A_275 = vector.extract_strided_slice %get3A_27 {offsets = [6], sizes = [1], strides = [1]} : vector<16xi32> to vector<1xi32>
      %squeeze3A_276 = vector.extract %slice3A_275[0] : i32 from vector<1xi32>
      %jit3A_277 = arith.constant 128 : i32
      %div3A_278 = arith.divsi %squeeze3A_276, %jit3A_277 : i32
      %sign3A_279 = arith.constant 0 : i32
      %sign3A_280 = arith.cmpi sgt, %squeeze3A_276, %sign3A_279 : i32
      %sign3A_281 = arith.extui %sign3A_280 : i1 to i32
      %sign3A_282 = arith.constant 0 : i32
      %sign3A_283 = arith.cmpi slt, %squeeze3A_276, %sign3A_282 : i32
      %sign3A_284 = arith.extui %sign3A_283 : i1 to i32
      %sign3A_285 = arith.subi %sign3A_281, %sign3A_284 : i32
      %sign3A_286 = arith.constant 0 : i32
      %sign3A_287 = arith.cmpi sgt, %jit3A_277, %sign3A_286 : i32
      %sign3A_288 = arith.extui %sign3A_287 : i1 to i32
      %sign3A_289 = arith.constant 0 : i32
      %sign3A_290 = arith.cmpi slt, %jit3A_277, %sign3A_289 : i32
      %sign3A_291 = arith.extui %sign3A_290 : i1 to i32
      %sign3A_292 = arith.subi %sign3A_288, %sign3A_291 : i32
      %ne3A_293 = arith.cmpi ne, %sign3A_285, %sign3A_292 : i32
      %rem3A_294 = arith.remsi %squeeze3A_276, %jit3A_277 : i32
      %ne3A_295 = arith.constant 0 : i32
      %ne3A_296 = arith.cmpi ne, %rem3A_294, %ne3A_295 : i32
      %and3A_297 = arith.andi %ne3A_293, %ne3A_296 : i1
      %sub3A_298 = arith.constant 1 : i32
      %sub3A_299 = arith.subi %div3A_278, %sub3A_298 : i32
      %select_n3A_300 = arith.select %and3A_297, %sub3A_299, %div3A_278 : i32
      %mul3A_301 = arith.constant 128 : i32
      %mul3A_302 = arith.muli %select_n3A_300, %mul3A_301 : i32
      %add3A_303 = arith.addi %mul3A_2, %multiple_of3A : i32
      %add3A_304 = arith.constant 6 : i32
      %add3A_305 = arith.addi %add3A_303, %add3A_304 : i32
      %add3A_306 = arith.constant 6 : i32
      %add3A_307 = arith.addi %multiple_of3A, %add3A_306 : i32
      %dma_start3A_308 = arith.constant 0 : i32
      %dma_start3A_309 = tpu.memref_slice %arg6[%add3A_307, %dma_start3A_308] : memref<64x128xf32, #tpu.memory_space<vmem>> -> memref<1x128xf32, #tpu.memory_space<vmem>>
      %dma_start3A_310 = tpu.memref_squeeze %dma_start3A_309 : memref<1x128xf32, #tpu.memory_space<vmem>> -> memref<128xf32, #tpu.memory_space<vmem>>
      %dma_start3A_311 = tpu.memref_slice %arg2[%add3A_305, %mul3A_302] : memref<2048x32000xf32, #tpu.memory_space<hbm>> -> memref<1x128xf32, #tpu.memory_space<hbm>>
      %dma_start3A_312 = tpu.memref_squeeze %dma_start3A_311 : memref<1x128xf32, #tpu.memory_space<hbm>> -> memref<128xf32, #tpu.memory_space<hbm>>
      %dma_start3A_313 = arith.constant 0 : i32
      %dma_start3A_314 = tpu.memref_slice %arg6[%add3A_307, %dma_start3A_313] : memref<64x128xf32, #tpu.memory_space<vmem>> -> memref<1x128xf32, #tpu.memory_space<vmem>>
      %dma_start3A_315 = tpu.memref_squeeze %dma_start3A_314 : memref<1x128xf32, #tpu.memory_space<vmem>> -> memref<128xf32, #tpu.memory_space<vmem>>
      %dma_start3A_316 = tpu.memref_slice %arg2[%add3A_305, %mul3A_302] : memref<2048x32000xf32, #tpu.memory_space<hbm>> -> memref<1x128xf32, #tpu.memory_space<hbm>>
      %dma_start3A_317 = tpu.memref_squeeze %dma_start3A_316 : memref<1x128xf32, #tpu.memory_space<hbm>> -> memref<128xf32, #tpu.memory_space<hbm>>
      tpu.enqueue_dma source(%dma_start3A_317 : memref<128xf32, #tpu.memory_space<hbm>>) target(%dma_start3A_315 : memref<128xf32, #tpu.memory_space<vmem>>) target_semaphore(%arg8 : memref<!tpu.dma_semaphore, #tpu.memory_space<semaphore_mem>>)
      %slice3A_318 = vector.extract_strided_slice %get3A_27 {offsets = [7], sizes = [1], strides = [1]} : vector<16xi32> to vector<1xi32>
      %squeeze3A_319 = vector.extract %slice3A_318[0] : i32 from vector<1xi32>
      %jit3A_320 = arith.constant 128 : i32
      %div3A_321 = arith.divsi %squeeze3A_319, %jit3A_320 : i32
      %sign3A_322 = arith.constant 0 : i32
      %sign3A_323 = arith.cmpi sgt, %squeeze3A_319, %sign3A_322 : i32
      %sign3A_324 = arith.extui %sign3A_323 : i1 to i32
      %sign3A_325 = arith.constant 0 : i32
      %sign3A_326 = arith.cmpi slt, %squeeze3A_319, %sign3A_325 : i32
      %sign3A_327 = arith.extui %sign3A_326 : i1 to i32
      %sign3A_328 = arith.subi %sign3A_324, %sign3A_327 : i32
      %sign3A_329 = arith.constant 0 : i32
      %sign3A_330 = arith.cmpi sgt, %jit3A_320, %sign3A_329 : i32
      %sign3A_331 = arith.extui %sign3A_330 : i1 to i32
      %sign3A_332 = arith.constant 0 : i32
      %sign3A_333 = arith.cmpi slt, %jit3A_320, %sign3A_332 : i32
      %sign3A_334 = arith.extui %sign3A_333 : i1 to i32
      %sign3A_335 = arith.subi %sign3A_331, %sign3A_334 : i32
      %ne3A_336 = arith.cmpi ne, %sign3A_328, %sign3A_335 : i32
      %rem3A_337 = arith.remsi %squeeze3A_319, %jit3A_320 : i32
      %ne3A_338 = arith.constant 0 : i32
      %ne3A_339 = arith.cmpi ne, %rem3A_337, %ne3A_338 : i32
      %and3A_340 = arith.andi %ne3A_336, %ne3A_339 : i1
      %sub3A_341 = arith.constant 1 : i32
      %sub3A_342 = arith.subi %div3A_321, %sub3A_341 : i32
      %select_n3A_343 = arith.select %and3A_340, %sub3A_342, %div3A_321 : i32
      %mul3A_344 = arith.constant 128 : i32
      %mul3A_345 = arith.muli %select_n3A_343, %mul3A_344 : i32
      %add3A_346 = arith.addi %mul3A_2, %multiple_of3A : i32
      %add3A_347 = arith.constant 7 : i32
      %add3A_348 = arith.addi %add3A_346, %add3A_347 : i32
      %add3A_349 = arith.constant 7 : i32
      %add3A_350 = arith.addi %multiple_of3A, %add3A_349 : i32
      %dma_start3A_351 = arith.constant 0 : i32
      %dma_start3A_352 = tpu.memref_slice %arg6[%add3A_350, %dma_start3A_351] : memref<64x128xf32, #tpu.memory_space<vmem>> -> memref<1x128xf32, #tpu.memory_space<vmem>>
      %dma_start3A_353 = tpu.memref_squeeze %dma_start3A_352 : memref<1x128xf32, #tpu.memory_space<vmem>> -> memref<128xf32, #tpu.memory_space<vmem>>
      %dma_start3A_354 = tpu.memref_slice %arg2[%add3A_348, %mul3A_345] : memref<2048x32000xf32, #tpu.memory_space<hbm>> -> memref<1x128xf32, #tpu.memory_space<hbm>>
      %dma_start3A_355 = tpu.memref_squeeze %dma_start3A_354 : memref<1x128xf32, #tpu.memory_space<hbm>> -> memref<128xf32, #tpu.memory_space<hbm>>
      %dma_start3A_356 = arith.constant 0 : i32
      %dma_start3A_357 = tpu.memref_slice %arg6[%add3A_350, %dma_start3A_356] : memref<64x128xf32, #tpu.memory_space<vmem>> -> memref<1x128xf32, #tpu.memory_space<vmem>>
      %dma_start3A_358 = tpu.memref_squeeze %dma_start3A_357 : memref<1x128xf32, #tpu.memory_space<vmem>> -> memref<128xf32, #tpu.memory_space<vmem>>
      %dma_start3A_359 = tpu.memref_slice %arg2[%add3A_348, %mul3A_345] : memref<2048x32000xf32, #tpu.memory_space<hbm>> -> memref<1x128xf32, #tpu.memory_space<hbm>>
      %dma_start3A_360 = tpu.memref_squeeze %dma_start3A_359 : memref<1x128xf32, #tpu.memory_space<hbm>> -> memref<128xf32, #tpu.memory_space<hbm>>
      tpu.enqueue_dma source(%dma_start3A_360 : memref<128xf32, #tpu.memory_space<hbm>>) target(%dma_start3A_358 : memref<128xf32, #tpu.memory_space<vmem>>) target_semaphore(%arg8 : memref<!tpu.dma_semaphore, #tpu.memory_space<semaphore_mem>>)
      %slice3A_361 = vector.extract_strided_slice %get3A_27 {offsets = [8], sizes = [1], strides = [1]} : vector<16xi32> to vector<1xi32>
      %squeeze3A_362 = vector.extract %slice3A_361[0] : i32 from vector<1xi32>
      %jit3A_363 = arith.constant 128 : i32
      %div3A_364 = arith.divsi %squeeze3A_362, %jit3A_363 : i32
      %sign3A_365 = arith.constant 0 : i32
      %sign3A_366 = arith.cmpi sgt, %squeeze3A_362, %sign3A_365 : i32
      %sign3A_367 = arith.extui %sign3A_366 : i1 to i32
      %sign3A_368 = arith.constant 0 : i32
      %sign3A_369 = arith.cmpi slt, %squeeze3A_362, %sign3A_368 : i32
      %sign3A_370 = arith.extui %sign3A_369 : i1 to i32
      %sign3A_371 = arith.subi %sign3A_367, %sign3A_370 : i32
      %sign3A_372 = arith.constant 0 : i32
      %sign3A_373 = arith.cmpi sgt, %jit3A_363, %sign3A_372 : i32
      %sign3A_374 = arith.extui %sign3A_373 : i1 to i32
      %sign3A_375 = arith.constant 0 : i32
      %sign3A_376 = arith.cmpi slt, %jit3A_363, %sign3A_375 : i32
      %sign3A_377 = arith.extui %sign3A_376 : i1 to i32
      %sign3A_378 = arith.subi %sign3A_374, %sign3A_377 : i32
      %ne3A_379 = arith.cmpi ne, %sign3A_371, %sign3A_378 : i32
      %rem3A_380 = arith.remsi %squeeze3A_362, %jit3A_363 : i32
      %ne3A_381 = arith.constant 0 : i32
      %ne3A_382 = arith.cmpi ne, %rem3A_380, %ne3A_381 : i32
      %and3A_383 = arith.andi %ne3A_379, %ne3A_382 : i1
      %sub3A_384 = arith.constant 1 : i32
      %sub3A_385 = arith.subi %div3A_364, %sub3A_384 : i32
      %select_n3A_386 = arith.select %and3A_383, %sub3A_385, %div3A_364 : i32
      %mul3A_387 = arith.constant 128 : i32
      %mul3A_388 = arith.muli %select_n3A_386, %mul3A_387 : i32
      %add3A_389 = arith.addi %mul3A_2, %multiple_of3A : i32
      %add3A_390 = arith.constant 8 : i32
      %add3A_391 = arith.addi %add3A_389, %add3A_390 : i32
      %add3A_392 = arith.constant 8 : i32
      %add3A_393 = arith.addi %multiple_of3A, %add3A_392 : i32
      %dma_start3A_394 = arith.constant 0 : i32
      %dma_start3A_395 = tpu.memref_slice %arg6[%add3A_393, %dma_start3A_394] : memref<64x128xf32, #tpu.memory_space<vmem>> -> memref<1x128xf32, #tpu.memory_space<vmem>>
      %dma_start3A_396 = tpu.memref_squeeze %dma_start3A_395 : memref<1x128xf32, #tpu.memory_space<vmem>> -> memref<128xf32, #tpu.memory_space<vmem>>
      %dma_start3A_397 = tpu.memref_slice %arg2[%add3A_391, %mul3A_388] : memref<2048x32000xf32, #tpu.memory_space<hbm>> -> memref<1x128xf32, #tpu.memory_space<hbm>>
      %dma_start3A_398 = tpu.memref_squeeze %dma_start3A_397 : memref<1x128xf32, #tpu.memory_space<hbm>> -> memref<128xf32, #tpu.memory_space<hbm>>
      %dma_start3A_399 = arith.constant 0 : i32
      %dma_start3A_400 = tpu.memref_slice %arg6[%add3A_393, %dma_start3A_399] : memref<64x128xf32, #tpu.memory_space<vmem>> -> memref<1x128xf32, #tpu.memory_space<vmem>>
      %dma_start3A_401 = tpu.memref_squeeze %dma_start3A_400 : memref<1x128xf32, #tpu.memory_space<vmem>> -> memref<128xf32, #tpu.memory_space<vmem>>
      %dma_start3A_402 = tpu.memref_slice %arg2[%add3A_391, %mul3A_388] : memref<2048x32000xf32, #tpu.memory_space<hbm>> -> memref<1x128xf32, #tpu.memory_space<hbm>>
      %dma_start3A_403 = tpu.memref_squeeze %dma_start3A_402 : memref<1x128xf32, #tpu.memory_space<hbm>> -> memref<128xf32, #tpu.memory_space<hbm>>
      tpu.enqueue_dma source(%dma_start3A_403 : memref<128xf32, #tpu.memory_space<hbm>>) target(%dma_start3A_401 : memref<128xf32, #tpu.memory_space<vmem>>) target_semaphore(%arg8 : memref<!tpu.dma_semaphore, #tpu.memory_space<semaphore_mem>>)
      %slice3A_404 = vector.extract_strided_slice %get3A_27 {offsets = [9], sizes = [1], strides = [1]} : vector<16xi32> to vector<1xi32>
      %squeeze3A_405 = vector.extract %slice3A_404[0] : i32 from vector<1xi32>
      %jit3A_406 = arith.constant 128 : i32
      %div3A_407 = arith.divsi %squeeze3A_405, %jit3A_406 : i32
      %sign3A_408 = arith.constant 0 : i32
      %sign3A_409 = arith.cmpi sgt, %squeeze3A_405, %sign3A_408 : i32
      %sign3A_410 = arith.extui %sign3A_409 : i1 to i32
      %sign3A_411 = arith.constant 0 : i32
      %sign3A_412 = arith.cmpi slt, %squeeze3A_405, %sign3A_411 : i32
      %sign3A_413 = arith.extui %sign3A_412 : i1 to i32
      %sign3A_414 = arith.subi %sign3A_410, %sign3A_413 : i32
      %sign3A_415 = arith.constant 0 : i32
      %sign3A_416 = arith.cmpi sgt, %jit3A_406, %sign3A_415 : i32
      %sign3A_417 = arith.extui %sign3A_416 : i1 to i32
      %sign3A_418 = arith.constant 0 : i32
      %sign3A_419 = arith.cmpi slt, %jit3A_406, %sign3A_418 : i32
      %sign3A_420 = arith.extui %sign3A_419 : i1 to i32
      %sign3A_421 = arith.subi %sign3A_417, %sign3A_420 : i32
      %ne3A_422 = arith.cmpi ne, %sign3A_414, %sign3A_421 : i32
      %rem3A_423 = arith.remsi %squeeze3A_405, %jit3A_406 : i32
      %ne3A_424 = arith.constant 0 : i32
      %ne3A_425 = arith.cmpi ne, %rem3A_423, %ne3A_424 : i32
      %and3A_426 = arith.andi %ne3A_422, %ne3A_425 : i1
      %sub3A_427 = arith.constant 1 : i32
      %sub3A_428 = arith.subi %div3A_407, %sub3A_427 : i32
      %select_n3A_429 = arith.select %and3A_426, %sub3A_428, %div3A_407 : i32
      %mul3A_430 = arith.constant 128 : i32
      %mul3A_431 = arith.muli %select_n3A_429, %mul3A_430 : i32
      %add3A_432 = arith.addi %mul3A_2, %multiple_of3A : i32
      %add3A_433 = arith.constant 9 : i32
      %add3A_434 = arith.addi %add3A_432, %add3A_433 : i32
      %add3A_435 = arith.constant 9 : i32
      %add3A_436 = arith.addi %multiple_of3A, %add3A_435 : i32
      %dma_start3A_437 = arith.constant 0 : i32
      %dma_start3A_438 = tpu.memref_slice %arg6[%add3A_436, %dma_start3A_437] : memref<64x128xf32, #tpu.memory_space<vmem>> -> memref<1x128xf32, #tpu.memory_space<vmem>>
      %dma_start3A_439 = tpu.memref_squeeze %dma_start3A_438 : memref<1x128xf32, #tpu.memory_space<vmem>> -> memref<128xf32, #tpu.memory_space<vmem>>
      %dma_start3A_440 = tpu.memref_slice %arg2[%add3A_434, %mul3A_431] : memref<2048x32000xf32, #tpu.memory_space<hbm>> -> memref<1x128xf32, #tpu.memory_space<hbm>>
      %dma_start3A_441 = tpu.memref_squeeze %dma_start3A_440 : memref<1x128xf32, #tpu.memory_space<hbm>> -> memref<128xf32, #tpu.memory_space<hbm>>
      %dma_start3A_442 = arith.constant 0 : i32
      %dma_start3A_443 = tpu.memref_slice %arg6[%add3A_436, %dma_start3A_442] : memref<64x128xf32, #tpu.memory_space<vmem>> -> memref<1x128xf32, #tpu.memory_space<vmem>>
      %dma_start3A_444 = tpu.memref_squeeze %dma_start3A_443 : memref<1x128xf32, #tpu.memory_space<vmem>> -> memref<128xf32, #tpu.memory_space<vmem>>
      %dma_start3A_445 = tpu.memref_slice %arg2[%add3A_434, %mul3A_431] : memref<2048x32000xf32, #tpu.memory_space<hbm>> -> memref<1x128xf32, #tpu.memory_space<hbm>>
      %dma_start3A_446 = tpu.memref_squeeze %dma_start3A_445 : memref<1x128xf32, #tpu.memory_space<hbm>> -> memref<128xf32, #tpu.memory_space<hbm>>
      tpu.enqueue_dma source(%dma_start3A_446 : memref<128xf32, #tpu.memory_space<hbm>>) target(%dma_start3A_444 : memref<128xf32, #tpu.memory_space<vmem>>) target_semaphore(%arg8 : memref<!tpu.dma_semaphore, #tpu.memory_space<semaphore_mem>>)
      %slice3A_447 = vector.extract_strided_slice %get3A_27 {offsets = [10], sizes = [1], strides = [1]} : vector<16xi32> to vector<1xi32>
      %squeeze3A_448 = vector.extract %slice3A_447[0] : i32 from vector<1xi32>
      %jit3A_449 = arith.constant 128 : i32
      %div3A_450 = arith.divsi %squeeze3A_448, %jit3A_449 : i32
      %sign3A_451 = arith.constant 0 : i32
      %sign3A_452 = arith.cmpi sgt, %squeeze3A_448, %sign3A_451 : i32
      %sign3A_453 = arith.extui %sign3A_452 : i1 to i32
      %sign3A_454 = arith.constant 0 : i32
      %sign3A_455 = arith.cmpi slt, %squeeze3A_448, %sign3A_454 : i32
      %sign3A_456 = arith.extui %sign3A_455 : i1 to i32
      %sign3A_457 = arith.subi %sign3A_453, %sign3A_456 : i32
      %sign3A_458 = arith.constant 0 : i32
      %sign3A_459 = arith.cmpi sgt, %jit3A_449, %sign3A_458 : i32
      %sign3A_460 = arith.extui %sign3A_459 : i1 to i32
      %sign3A_461 = arith.constant 0 : i32
      %sign3A_462 = arith.cmpi slt, %jit3A_449, %sign3A_461 : i32
      %sign3A_463 = arith.extui %sign3A_462 : i1 to i32
      %sign3A_464 = arith.subi %sign3A_460, %sign3A_463 : i32
      %ne3A_465 = arith.cmpi ne, %sign3A_457, %sign3A_464 : i32
      %rem3A_466 = arith.remsi %squeeze3A_448, %jit3A_449 : i32
      %ne3A_467 = arith.constant 0 : i32
      %ne3A_468 = arith.cmpi ne, %rem3A_466, %ne3A_467 : i32
      %and3A_469 = arith.andi %ne3A_465, %ne3A_468 : i1
      %sub3A_470 = arith.constant 1 : i32
      %sub3A_471 = arith.subi %div3A_450, %sub3A_470 : i32
      %select_n3A_472 = arith.select %and3A_469, %sub3A_471, %div3A_450 : i32
      %mul3A_473 = arith.constant 128 : i32
      %mul3A_474 = arith.muli %select_n3A_472, %mul3A_473 : i32
      %add3A_475 = arith.addi %mul3A_2, %multiple_of3A : i32
      %add3A_476 = arith.constant 10 : i32
      %add3A_477 = arith.addi %add3A_475, %add3A_476 : i32
      %add3A_478 = arith.constant 10 : i32
      %add3A_479 = arith.addi %multiple_of3A, %add3A_478 : i32
      %dma_start3A_480 = arith.constant 0 : i32
      %dma_start3A_481 = tpu.memref_slice %arg6[%add3A_479, %dma_start3A_480] : memref<64x128xf32, #tpu.memory_space<vmem>> -> memref<1x128xf32, #tpu.memory_space<vmem>>
      %dma_start3A_482 = tpu.memref_squeeze %dma_start3A_481 : memref<1x128xf32, #tpu.memory_space<vmem>> -> memref<128xf32, #tpu.memory_space<vmem>>
      %dma_start3A_483 = tpu.memref_slice %arg2[%add3A_477, %mul3A_474] : memref<2048x32000xf32, #tpu.memory_space<hbm>> -> memref<1x128xf32, #tpu.memory_space<hbm>>
      %dma_start3A_484 = tpu.memref_squeeze %dma_start3A_483 : memref<1x128xf32, #tpu.memory_space<hbm>> -> memref<128xf32, #tpu.memory_space<hbm>>
      %dma_start3A_485 = arith.constant 0 : i32
      %dma_start3A_486 = tpu.memref_slice %arg6[%add3A_479, %dma_start3A_485] : memref<64x128xf32, #tpu.memory_space<vmem>> -> memref<1x128xf32, #tpu.memory_space<vmem>>
      %dma_start3A_487 = tpu.memref_squeeze %dma_start3A_486 : memref<1x128xf32, #tpu.memory_space<vmem>> -> memref<128xf32, #tpu.memory_space<vmem>>
      %dma_start3A_488 = tpu.memref_slice %arg2[%add3A_477, %mul3A_474] : memref<2048x32000xf32, #tpu.memory_space<hbm>> -> memref<1x128xf32, #tpu.memory_space<hbm>>
      %dma_start3A_489 = tpu.memref_squeeze %dma_start3A_488 : memref<1x128xf32, #tpu.memory_space<hbm>> -> memref<128xf32, #tpu.memory_space<hbm>>
      tpu.enqueue_dma source(%dma_start3A_489 : memref<128xf32, #tpu.memory_space<hbm>>) target(%dma_start3A_487 : memref<128xf32, #tpu.memory_space<vmem>>) target_semaphore(%arg8 : memref<!tpu.dma_semaphore, #tpu.memory_space<semaphore_mem>>)
      %slice3A_490 = vector.extract_strided_slice %get3A_27 {offsets = [11], sizes = [1], strides = [1]} : vector<16xi32> to vector<1xi32>
      %squeeze3A_491 = vector.extract %slice3A_490[0] : i32 from vector<1xi32>
      %jit3A_492 = arith.constant 128 : i32
      %div3A_493 = arith.divsi %squeeze3A_491, %jit3A_492 : i32
      %sign3A_494 = arith.constant 0 : i32
      %sign3A_495 = arith.cmpi sgt, %squeeze3A_491, %sign3A_494 : i32
      %sign3A_496 = arith.extui %sign3A_495 : i1 to i32
      %sign3A_497 = arith.constant 0 : i32
      %sign3A_498 = arith.cmpi slt, %squeeze3A_491, %sign3A_497 : i32
      %sign3A_499 = arith.extui %sign3A_498 : i1 to i32
      %sign3A_500 = arith.subi %sign3A_496, %sign3A_499 : i32
      %sign3A_501 = arith.constant 0 : i32
      %sign3A_502 = arith.cmpi sgt, %jit3A_492, %sign3A_501 : i32
      %sign3A_503 = arith.extui %sign3A_502 : i1 to i32
      %sign3A_504 = arith.constant 0 : i32
      %sign3A_505 = arith.cmpi slt, %jit3A_492, %sign3A_504 : i32
      %sign3A_506 = arith.extui %sign3A_505 : i1 to i32
      %sign3A_507 = arith.subi %sign3A_503, %sign3A_506 : i32
      %ne3A_508 = arith.cmpi ne, %sign3A_500, %sign3A_507 : i32
      %rem3A_509 = arith.remsi %squeeze3A_491, %jit3A_492 : i32
      %ne3A_510 = arith.constant 0 : i32
      %ne3A_511 = arith.cmpi ne, %rem3A_509, %ne3A_510 : i32
      %and3A_512 = arith.andi %ne3A_508, %ne3A_511 : i1
      %sub3A_513 = arith.constant 1 : i32
      %sub3A_514 = arith.subi %div3A_493, %sub3A_513 : i32
      %select_n3A_515 = arith.select %and3A_512, %sub3A_514, %div3A_493 : i32
      %mul3A_516 = arith.constant 128 : i32
      %mul3A_517 = arith.muli %select_n3A_515, %mul3A_516 : i32
      %add3A_518 = arith.addi %mul3A_2, %multiple_of3A : i32
      %add3A_519 = arith.constant 11 : i32
      %add3A_520 = arith.addi %add3A_518, %add3A_519 : i32
      %add3A_521 = arith.constant 11 : i32
      %add3A_522 = arith.addi %multiple_of3A, %add3A_521 : i32
      %dma_start3A_523 = arith.constant 0 : i32
      %dma_start3A_524 = tpu.memref_slice %arg6[%add3A_522, %dma_start3A_523] : memref<64x128xf32, #tpu.memory_space<vmem>> -> memref<1x128xf32, #tpu.memory_space<vmem>>
      %dma_start3A_525 = tpu.memref_squeeze %dma_start3A_524 : memref<1x128xf32, #tpu.memory_space<vmem>> -> memref<128xf32, #tpu.memory_space<vmem>>
      %dma_start3A_526 = tpu.memref_slice %arg2[%add3A_520, %mul3A_517] : memref<2048x32000xf32, #tpu.memory_space<hbm>> -> memref<1x128xf32, #tpu.memory_space<hbm>>
      %dma_start3A_527 = tpu.memref_squeeze %dma_start3A_526 : memref<1x128xf32, #tpu.memory_space<hbm>> -> memref<128xf32, #tpu.memory_space<hbm>>
      %dma_start3A_528 = arith.constant 0 : i32
      %dma_start3A_529 = tpu.memref_slice %arg6[%add3A_522, %dma_start3A_528] : memref<64x128xf32, #tpu.memory_space<vmem>> -> memref<1x128xf32, #tpu.memory_space<vmem>>
      %dma_start3A_530 = tpu.memref_squeeze %dma_start3A_529 : memref<1x128xf32, #tpu.memory_space<vmem>> -> memref<128xf32, #tpu.memory_space<vmem>>
      %dma_start3A_531 = tpu.memref_slice %arg2[%add3A_520, %mul3A_517] : memref<2048x32000xf32, #tpu.memory_space<hbm>> -> memref<1x128xf32, #tpu.memory_space<hbm>>
      %dma_start3A_532 = tpu.memref_squeeze %dma_start3A_531 : memref<1x128xf32, #tpu.memory_space<hbm>> -> memref<128xf32, #tpu.memory_space<hbm>>
      tpu.enqueue_dma source(%dma_start3A_532 : memref<128xf32, #tpu.memory_space<hbm>>) target(%dma_start3A_530 : memref<128xf32, #tpu.memory_space<vmem>>) target_semaphore(%arg8 : memref<!tpu.dma_semaphore, #tpu.memory_space<semaphore_mem>>)
      %slice3A_533 = vector.extract_strided_slice %get3A_27 {offsets = [12], sizes = [1], strides = [1]} : vector<16xi32> to vector<1xi32>
      %squeeze3A_534 = vector.extract %slice3A_533[0] : i32 from vector<1xi32>
      %jit3A_535 = arith.constant 128 : i32
      %div3A_536 = arith.divsi %squeeze3A_534, %jit3A_535 : i32
      %sign3A_537 = arith.constant 0 : i32
      %sign3A_538 = arith.cmpi sgt, %squeeze3A_534, %sign3A_537 : i32
      %sign3A_539 = arith.extui %sign3A_538 : i1 to i32
      %sign3A_540 = arith.constant 0 : i32
      %sign3A_541 = arith.cmpi slt, %squeeze3A_534, %sign3A_540 : i32
      %sign3A_542 = arith.extui %sign3A_541 : i1 to i32
      %sign3A_543 = arith.subi %sign3A_539, %sign3A_542 : i32
      %sign3A_544 = arith.constant 0 : i32
      %sign3A_545 = arith.cmpi sgt, %jit3A_535, %sign3A_544 : i32
      %sign3A_546 = arith.extui %sign3A_545 : i1 to i32
      %sign3A_547 = arith.constant 0 : i32
      %sign3A_548 = arith.cmpi slt, %jit3A_535, %sign3A_547 : i32
      %sign3A_549 = arith.extui %sign3A_548 : i1 to i32
      %sign3A_550 = arith.subi %sign3A_546, %sign3A_549 : i32
      %ne3A_551 = arith.cmpi ne, %sign3A_543, %sign3A_550 : i32
      %rem3A_552 = arith.remsi %squeeze3A_534, %jit3A_535 : i32
      %ne3A_553 = arith.constant 0 : i32
      %ne3A_554 = arith.cmpi ne, %rem3A_552, %ne3A_553 : i32
      %and3A_555 = arith.andi %ne3A_551, %ne3A_554 : i1
      %sub3A_556 = arith.constant 1 : i32
      %sub3A_557 = arith.subi %div3A_536, %sub3A_556 : i32
      %select_n3A_558 = arith.select %and3A_555, %sub3A_557, %div3A_536 : i32
      %mul3A_559 = arith.constant 128 : i32
      %mul3A_560 = arith.muli %select_n3A_558, %mul3A_559 : i32
      %add3A_561 = arith.addi %mul3A_2, %multiple_of3A : i32
      %add3A_562 = arith.constant 12 : i32
      %add3A_563 = arith.addi %add3A_561, %add3A_562 : i32
      %add3A_564 = arith.constant 12 : i32
      %add3A_565 = arith.addi %multiple_of3A, %add3A_564 : i32
      %dma_start3A_566 = arith.constant 0 : i32
      %dma_start3A_567 = tpu.memref_slice %arg6[%add3A_565, %dma_start3A_566] : memref<64x128xf32, #tpu.memory_space<vmem>> -> memref<1x128xf32, #tpu.memory_space<vmem>>
      %dma_start3A_568 = tpu.memref_squeeze %dma_start3A_567 : memref<1x128xf32, #tpu.memory_space<vmem>> -> memref<128xf32, #tpu.memory_space<vmem>>
      %dma_start3A_569 = tpu.memref_slice %arg2[%add3A_563, %mul3A_560] : memref<2048x32000xf32, #tpu.memory_space<hbm>> -> memref<1x128xf32, #tpu.memory_space<hbm>>
      %dma_start3A_570 = tpu.memref_squeeze %dma_start3A_569 : memref<1x128xf32, #tpu.memory_space<hbm>> -> memref<128xf32, #tpu.memory_space<hbm>>
      %dma_start3A_571 = arith.constant 0 : i32
      %dma_start3A_572 = tpu.memref_slice %arg6[%add3A_565, %dma_start3A_571] : memref<64x128xf32, #tpu.memory_space<vmem>> -> memref<1x128xf32, #tpu.memory_space<vmem>>
      %dma_start3A_573 = tpu.memref_squeeze %dma_start3A_572 : memref<1x128xf32, #tpu.memory_space<vmem>> -> memref<128xf32, #tpu.memory_space<vmem>>
      %dma_start3A_574 = tpu.memref_slice %arg2[%add3A_563, %mul3A_560] : memref<2048x32000xf32, #tpu.memory_space<hbm>> -> memref<1x128xf32, #tpu.memory_space<hbm>>
      %dma_start3A_575 = tpu.memref_squeeze %dma_start3A_574 : memref<1x128xf32, #tpu.memory_space<hbm>> -> memref<128xf32, #tpu.memory_space<hbm>>
      tpu.enqueue_dma source(%dma_start3A_575 : memref<128xf32, #tpu.memory_space<hbm>>) target(%dma_start3A_573 : memref<128xf32, #tpu.memory_space<vmem>>) target_semaphore(%arg8 : memref<!tpu.dma_semaphore, #tpu.memory_space<semaphore_mem>>)
      %slice3A_576 = vector.extract_strided_slice %get3A_27 {offsets = [13], sizes = [1], strides = [1]} : vector<16xi32> to vector<1xi32>
      %squeeze3A_577 = vector.extract %slice3A_576[0] : i32 from vector<1xi32>
      %jit3A_578 = arith.constant 128 : i32
      %div3A_579 = arith.divsi %squeeze3A_577, %jit3A_578 : i32
      %sign3A_580 = arith.constant 0 : i32
      %sign3A_581 = arith.cmpi sgt, %squeeze3A_577, %sign3A_580 : i32
      %sign3A_582 = arith.extui %sign3A_581 : i1 to i32
      %sign3A_583 = arith.constant 0 : i32
      %sign3A_584 = arith.cmpi slt, %squeeze3A_577, %sign3A_583 : i32
      %sign3A_585 = arith.extui %sign3A_584 : i1 to i32
      %sign3A_586 = arith.subi %sign3A_582, %sign3A_585 : i32
      %sign3A_587 = arith.constant 0 : i32
      %sign3A_588 = arith.cmpi sgt, %jit3A_578, %sign3A_587 : i32
      %sign3A_589 = arith.extui %sign3A_588 : i1 to i32
      %sign3A_590 = arith.constant 0 : i32
      %sign3A_591 = arith.cmpi slt, %jit3A_578, %sign3A_590 : i32
      %sign3A_592 = arith.extui %sign3A_591 : i1 to i32
      %sign3A_593 = arith.subi %sign3A_589, %sign3A_592 : i32
      %ne3A_594 = arith.cmpi ne, %sign3A_586, %sign3A_593 : i32
      %rem3A_595 = arith.remsi %squeeze3A_577, %jit3A_578 : i32
      %ne3A_596 = arith.constant 0 : i32
      %ne3A_597 = arith.cmpi ne, %rem3A_595, %ne3A_596 : i32
      %and3A_598 = arith.andi %ne3A_594, %ne3A_597 : i1
      %sub3A_599 = arith.constant 1 : i32
      %sub3A_600 = arith.subi %div3A_579, %sub3A_599 : i32
      %select_n3A_601 = arith.select %and3A_598, %sub3A_600, %div3A_579 : i32
      %mul3A_602 = arith.constant 128 : i32
      %mul3A_603 = arith.muli %select_n3A_601, %mul3A_602 : i32
      %add3A_604 = arith.addi %mul3A_2, %multiple_of3A : i32
      %add3A_605 = arith.constant 13 : i32
      %add3A_606 = arith.addi %add3A_604, %add3A_605 : i32
      %add3A_607 = arith.constant 13 : i32
      %add3A_608 = arith.addi %multiple_of3A, %add3A_607 : i32
      %dma_start3A_609 = arith.constant 0 : i32
      %dma_start3A_610 = tpu.memref_slice %arg6[%add3A_608, %dma_start3A_609] : memref<64x128xf32, #tpu.memory_space<vmem>> -> memref<1x128xf32, #tpu.memory_space<vmem>>
      %dma_start3A_611 = tpu.memref_squeeze %dma_start3A_610 : memref<1x128xf32, #tpu.memory_space<vmem>> -> memref<128xf32, #tpu.memory_space<vmem>>
      %dma_start3A_612 = tpu.memref_slice %arg2[%add3A_606, %mul3A_603] : memref<2048x32000xf32, #tpu.memory_space<hbm>> -> memref<1x128xf32, #tpu.memory_space<hbm>>
      %dma_start3A_613 = tpu.memref_squeeze %dma_start3A_612 : memref<1x128xf32, #tpu.memory_space<hbm>> -> memref<128xf32, #tpu.memory_space<hbm>>
      %dma_start3A_614 = arith.constant 0 : i32
      %dma_start3A_615 = tpu.memref_slice %arg6[%add3A_608, %dma_start3A_614] : memref<64x128xf32, #tpu.memory_space<vmem>> -> memref<1x128xf32, #tpu.memory_space<vmem>>
      %dma_start3A_616 = tpu.memref_squeeze %dma_start3A_615 : memref<1x128xf32, #tpu.memory_space<vmem>> -> memref<128xf32, #tpu.memory_space<vmem>>
      %dma_start3A_617 = tpu.memref_slice %arg2[%add3A_606, %mul3A_603] : memref<2048x32000xf32, #tpu.memory_space<hbm>> -> memref<1x128xf32, #tpu.memory_space<hbm>>
      %dma_start3A_618 = tpu.memref_squeeze %dma_start3A_617 : memref<1x128xf32, #tpu.memory_space<hbm>> -> memref<128xf32, #tpu.memory_space<hbm>>
      tpu.enqueue_dma source(%dma_start3A_618 : memref<128xf32, #tpu.memory_space<hbm>>) target(%dma_start3A_616 : memref<128xf32, #tpu.memory_space<vmem>>) target_semaphore(%arg8 : memref<!tpu.dma_semaphore, #tpu.memory_space<semaphore_mem>>)
      %slice3A_619 = vector.extract_strided_slice %get3A_27 {offsets = [14], sizes = [1], strides = [1]} : vector<16xi32> to vector<1xi32>
      %squeeze3A_620 = vector.extract %slice3A_619[0] : i32 from vector<1xi32>
      %jit3A_621 = arith.constant 128 : i32
      %div3A_622 = arith.divsi %squeeze3A_620, %jit3A_621 : i32
      %sign3A_623 = arith.constant 0 : i32
      %sign3A_624 = arith.cmpi sgt, %squeeze3A_620, %sign3A_623 : i32
      %sign3A_625 = arith.extui %sign3A_624 : i1 to i32
      %sign3A_626 = arith.constant 0 : i32
      %sign3A_627 = arith.cmpi slt, %squeeze3A_620, %sign3A_626 : i32
      %sign3A_628 = arith.extui %sign3A_627 : i1 to i32
      %sign3A_629 = arith.subi %sign3A_625, %sign3A_628 : i32
      %sign3A_630 = arith.constant 0 : i32
      %sign3A_631 = arith.cmpi sgt, %jit3A_621, %sign3A_630 : i32
      %sign3A_632 = arith.extui %sign3A_631 : i1 to i32
      %sign3A_633 = arith.constant 0 : i32
      %sign3A_634 = arith.cmpi slt, %jit3A_621, %sign3A_633 : i32
      %sign3A_635 = arith.extui %sign3A_634 : i1 to i32
      %sign3A_636 = arith.subi %sign3A_632, %sign3A_635 : i32
      %ne3A_637 = arith.cmpi ne, %sign3A_629, %sign3A_636 : i32
      %rem3A_638 = arith.remsi %squeeze3A_620, %jit3A_621 : i32
      %ne3A_639 = arith.constant 0 : i32
      %ne3A_640 = arith.cmpi ne, %rem3A_638, %ne3A_639 : i32
      %and3A_641 = arith.andi %ne3A_637, %ne3A_640 : i1
      %sub3A_642 = arith.constant 1 : i32
      %sub3A_643 = arith.subi %div3A_622, %sub3A_642 : i32
      %select_n3A_644 = arith.select %and3A_641, %sub3A_643, %div3A_622 : i32
      %mul3A_645 = arith.constant 128 : i32
      %mul3A_646 = arith.muli %select_n3A_644, %mul3A_645 : i32
      %add3A_647 = arith.addi %mul3A_2, %multiple_of3A : i32
      %add3A_648 = arith.constant 14 : i32
      %add3A_649 = arith.addi %add3A_647, %add3A_648 : i32
      %add3A_650 = arith.constant 14 : i32
      %add3A_651 = arith.addi %multiple_of3A, %add3A_650 : i32
      %dma_start3A_652 = arith.constant 0 : i32
      %dma_start3A_653 = tpu.memref_slice %arg6[%add3A_651, %dma_start3A_652] : memref<64x128xf32, #tpu.memory_space<vmem>> -> memref<1x128xf32, #tpu.memory_space<vmem>>
      %dma_start3A_654 = tpu.memref_squeeze %dma_start3A_653 : memref<1x128xf32, #tpu.memory_space<vmem>> -> memref<128xf32, #tpu.memory_space<vmem>>
      %dma_start3A_655 = tpu.memref_slice %arg2[%add3A_649, %mul3A_646] : memref<2048x32000xf32, #tpu.memory_space<hbm>> -> memref<1x128xf32, #tpu.memory_space<hbm>>
      %dma_start3A_656 = tpu.memref_squeeze %dma_start3A_655 : memref<1x128xf32, #tpu.memory_space<hbm>> -> memref<128xf32, #tpu.memory_space<hbm>>
      %dma_start3A_657 = arith.constant 0 : i32
      %dma_start3A_658 = tpu.memref_slice %arg6[%add3A_651, %dma_start3A_657] : memref<64x128xf32, #tpu.memory_space<vmem>> -> memref<1x128xf32, #tpu.memory_space<vmem>>
      %dma_start3A_659 = tpu.memref_squeeze %dma_start3A_658 : memref<1x128xf32, #tpu.memory_space<vmem>> -> memref<128xf32, #tpu.memory_space<vmem>>
      %dma_start3A_660 = tpu.memref_slice %arg2[%add3A_649, %mul3A_646] : memref<2048x32000xf32, #tpu.memory_space<hbm>> -> memref<1x128xf32, #tpu.memory_space<hbm>>
      %dma_start3A_661 = tpu.memref_squeeze %dma_start3A_660 : memref<1x128xf32, #tpu.memory_space<hbm>> -> memref<128xf32, #tpu.memory_space<hbm>>
      tpu.enqueue_dma source(%dma_start3A_661 : memref<128xf32, #tpu.memory_space<hbm>>) target(%dma_start3A_659 : memref<128xf32, #tpu.memory_space<vmem>>) target_semaphore(%arg8 : memref<!tpu.dma_semaphore, #tpu.memory_space<semaphore_mem>>)
      %slice3A_662 = vector.extract_strided_slice %get3A_27 {offsets = [15], sizes = [1], strides = [1]} : vector<16xi32> to vector<1xi32>
      %squeeze3A_663 = vector.extract %slice3A_662[0] : i32 from vector<1xi32>
      %jit3A_664 = arith.constant 128 : i32
      %div3A_665 = arith.divsi %squeeze3A_663, %jit3A_664 : i32
      %sign3A_666 = arith.constant 0 : i32
      %sign3A_667 = arith.cmpi sgt, %squeeze3A_663, %sign3A_666 : i32
      %sign3A_668 = arith.extui %sign3A_667 : i1 to i32
      %sign3A_669 = arith.constant 0 : i32
      %sign3A_670 = arith.cmpi slt, %squeeze3A_663, %sign3A_669 : i32
      %sign3A_671 = arith.extui %sign3A_670 : i1 to i32
      %sign3A_672 = arith.subi %sign3A_668, %sign3A_671 : i32
      %sign3A_673 = arith.constant 0 : i32
      %sign3A_674 = arith.cmpi sgt, %jit3A_664, %sign3A_673 : i32
      %sign3A_675 = arith.extui %sign3A_674 : i1 to i32
      %sign3A_676 = arith.constant 0 : i32
      %sign3A_677 = arith.cmpi slt, %jit3A_664, %sign3A_676 : i32
      %sign3A_678 = arith.extui %sign3A_677 : i1 to i32
      %sign3A_679 = arith.subi %sign3A_675, %sign3A_678 : i32
      %ne3A_680 = arith.cmpi ne, %sign3A_672, %sign3A_679 : i32
      %rem3A_681 = arith.remsi %squeeze3A_663, %jit3A_664 : i32
      %ne3A_682 = arith.constant 0 : i32
      %ne3A_683 = arith.cmpi ne, %rem3A_681, %ne3A_682 : i32
      %and3A_684 = arith.andi %ne3A_680, %ne3A_683 : i1
      %sub3A_685 = arith.constant 1 : i32
      %sub3A_686 = arith.subi %div3A_665, %sub3A_685 : i32
      %select_n3A_687 = arith.select %and3A_684, %sub3A_686, %div3A_665 : i32
      %mul3A_688 = arith.constant 128 : i32
      %mul3A_689 = arith.muli %select_n3A_687, %mul3A_688 : i32
      %add3A_690 = arith.addi %mul3A_2, %multiple_of3A : i32
      %add3A_691 = arith.constant 15 : i32
      %add3A_692 = arith.addi %add3A_690, %add3A_691 : i32
      %add3A_693 = arith.constant 15 : i32
      %add3A_694 = arith.addi %multiple_of3A, %add3A_693 : i32
      %dma_start3A_695 = arith.constant 0 : i32
      %dma_start3A_696 = tpu.memref_slice %arg6[%add3A_694, %dma_start3A_695] : memref<64x128xf32, #tpu.memory_space<vmem>> -> memref<1x128xf32, #tpu.memory_space<vmem>>
      %dma_start3A_697 = tpu.memref_squeeze %dma_start3A_696 : memref<1x128xf32, #tpu.memory_space<vmem>> -> memref<128xf32, #tpu.memory_space<vmem>>
      %dma_start3A_698 = tpu.memref_slice %arg2[%add3A_692, %mul3A_689] : memref<2048x32000xf32, #tpu.memory_space<hbm>> -> memref<1x128xf32, #tpu.memory_space<hbm>>
      %dma_start3A_699 = tpu.memref_squeeze %dma_start3A_698 : memref<1x128xf32, #tpu.memory_space<hbm>> -> memref<128xf32, #tpu.memory_space<hbm>>
      %dma_start3A_700 = arith.constant 0 : i32
      %dma_start3A_701 = tpu.memref_slice %arg6[%add3A_694, %dma_start3A_700] : memref<64x128xf32, #tpu.memory_space<vmem>> -> memref<1x128xf32, #tpu.memory_space<vmem>>
      %dma_start3A_702 = tpu.memref_squeeze %dma_start3A_701 : memref<1x128xf32, #tpu.memory_space<vmem>> -> memref<128xf32, #tpu.memory_space<vmem>>
      %dma_start3A_703 = tpu.memref_slice %arg2[%add3A_692, %mul3A_689] : memref<2048x32000xf32, #tpu.memory_space<hbm>> -> memref<1x128xf32, #tpu.memory_space<hbm>>
      %dma_start3A_704 = tpu.memref_squeeze %dma_start3A_703 : memref<1x128xf32, #tpu.memory_space<hbm>> -> memref<128xf32, #tpu.memory_space<hbm>>
      tpu.enqueue_dma source(%dma_start3A_704 : memref<128xf32, #tpu.memory_space<hbm>>) target(%dma_start3A_702 : memref<128xf32, #tpu.memory_space<vmem>>) target_semaphore(%arg8 : memref<!tpu.dma_semaphore, #tpu.memory_space<semaphore_mem>>)
    }
    %scan3A_7 = arith.constant 4 : i32
    %dma_wait3A = arith.constant 0 : i32
    %dma_wait3A_8 = arith.constant 0 : i32
    %dma_wait3A_9 = tpu.memref_slice %arg2[%dma_wait3A, %dma_wait3A_8] : memref<2048x32000xf32, #tpu.memory_space<hbm>> -> memref<64x128xf32, #tpu.memory_space<hbm>>
    %dma_wait3A_10 = arith.constant 0 : i32
    %dma_wait3A_11 = arith.constant 0 : i32
    %dma_wait3A_12 = tpu.memref_slice %arg2[%dma_wait3A_10, %dma_wait3A_11] : memref<2048x32000xf32, #tpu.memory_space<hbm>> -> memref<64x128xf32, #tpu.memory_space<hbm>>
    tpu.wait_dma2 semaphore(%arg8 : memref<!tpu.dma_semaphore, #tpu.memory_space<semaphore_mem>>) src(%dma_wait3A_12 : memref<64x128xf32, #tpu.memory_space<hbm>>) dst(%arg6 : memref<64x128xf32, #tpu.memory_space<vmem>>)
    %iota3A = tpu.iota {dimensions = array<i32: 0>} : vector<16xi32>
    %broadcast_in_dim3A = arith.constant 0.000000e+00 : f32
    %broadcast_in_dim3A_13 = vector.broadcast %broadcast_in_dim3A : f32 to vector<16xf32>
    %scan3A_14 = arith.constant 0 : i32
    %scan3A_15 = arith.constant 4 : i32
    %scan3A_16 = arith.addi %scan3A_14, %scan3A_15 : i32
    %scan3A_17 = arith.constant 1 : i32
    %scan3A_18 = scf.for %scan3A_23 = %scan3A_14 to %scan3A_16 step %scan3A_17 iter_args(%scan3A_24 = %broadcast_in_dim3A_13) -> (vector<16xf32>)  : i32 {
      %mul3A_25 = arith.constant 16 : i32
      %mul3A_26 = arith.muli %scan3A_23, %mul3A_25 : i32
      %multiple_of3A = tpu.assume_multiple %mul3A_26, 16 : i32
      %get3A = arith.index_cast %multiple_of3A : i32 to index
      %get3A_27 = tpu.vector_load %arg5[%get3A] {strides = array<i32>} : memref<64xi32, #tpu.memory_space<vmem>>, vector<16xi32>,
      %get3A_28 = vector.shape_cast %get3A_27 : vector<16xi32> to vector<16xi32>
      %slice3A = vector.extract_strided_slice %get3A_28 {offsets = [0], sizes = [1], strides = [1]} : vector<16xi32> to vector<1xi32>
      %squeeze3A = vector.extract %slice3A[0] : i32 from vector<1xi32>
      %jit3A = arith.constant 128 : i32
      %eq3A = arith.constant 0 : i32
      %eq3A_29 = arith.cmpi eq, %jit3A, %eq3A : i32
      %jit3A_30 = arith.constant 1 : i32
      %select_n3A = arith.select %eq3A_29, %jit3A_30, %jit3A : i32
      %rem3A = arith.remsi %squeeze3A, %select_n3A : i32
      %ne3A = arith.constant 0 : i32
      %ne3A_31 = arith.cmpi ne, %rem3A, %ne3A : i32
      %lt3A = arith.constant 0 : i32
      %lt3A_32 = arith.cmpi slt, %rem3A, %lt3A : i32
      %lt3A_33 = arith.constant 0 : i32
      %lt3A_34 = arith.cmpi slt, %select_n3A, %lt3A_33 : i32
      %ne3A_35 = arith.xori %lt3A_32, %lt3A_34 : i1
      %and3A = arith.andi %ne3A_35, %ne3A_31 : i1
      %add3A_36 = arith.addi %rem3A, %select_n3A : i32
      %select_n3A_37 = arith.select %and3A, %add3A_36, %rem3A : i32
      %jit3A_38 = arith.constant 16 : i32
      %div3A = arith.divsi %select_n3A_37, %jit3A_38 : i32
      %sign3A = arith.constant 0 : i32
      %sign3A_39 = arith.cmpi sgt, %select_n3A_37, %sign3A : i32
      %sign3A_40 = arith.extui %sign3A_39 : i1 to i32
      %sign3A_41 = arith.constant 0 : i32
      %sign3A_42 = arith.cmpi slt, %select_n3A_37, %sign3A_41 : i32
      %sign3A_43 = arith.extui %sign3A_42 : i1 to i32
      %sign3A_44 = arith.subi %sign3A_40, %sign3A_43 : i32
      %sign3A_45 = arith.constant 0 : i32
      %sign3A_46 = arith.cmpi sgt, %jit3A_38, %sign3A_45 : i32
      %sign3A_47 = arith.extui %sign3A_46 : i1 to i32
      %sign3A_48 = arith.constant 0 : i32
      %sign3A_49 = arith.cmpi slt, %jit3A_38, %sign3A_48 : i32
      %sign3A_50 = arith.extui %sign3A_49 : i1 to i32
      %sign3A_51 = arith.subi %sign3A_47, %sign3A_50 : i32
      %ne3A_52 = arith.cmpi ne, %sign3A_44, %sign3A_51 : i32
      %rem3A_53 = arith.remsi %select_n3A_37, %jit3A_38 : i32
      %ne3A_54 = arith.constant 0 : i32
      %ne3A_55 = arith.cmpi ne, %rem3A_53, %ne3A_54 : i32
      %and3A_56 = arith.andi %ne3A_52, %ne3A_55 : i1
      %sub3A = arith.constant 1 : i32
      %sub3A_57 = arith.subi %div3A, %sub3A : i32
      %select_n3A_58 = arith.select %and3A_56, %sub3A_57, %div3A : i32
      %mul3A_59 = arith.constant 16 : i32
      %mul3A_60 = arith.muli %select_n3A_58, %mul3A_59 : i32
      %multiple_of3A_61 = tpu.assume_multiple %mul3A_60, 16 : i32
      %add3A_62 = arith.constant 0 : i32
      %add3A_63 = arith.addi %multiple_of3A, %add3A_62 : i32
      %get3A_64 = arith.index_cast %add3A_63 : i32 to index
      %get3A_65 = arith.index_cast %multiple_of3A_61 : i32 to index
      %get3A_66 = tpu.vector_load %arg6[%get3A_64, %get3A_65] {strides = array<i32>} : memref<64x128xf32, #tpu.memory_space<vmem>>, vector<1x16xf32>,
      %get3A_67 = vector.shape_cast %get3A_66 : vector<1x16xf32> to vector<16xf32>
      %jit3A_68 = arith.constant 16 : i32
      %eq3A_69 = arith.constant 0 : i32
      %eq3A_70 = arith.cmpi eq, %jit3A_68, %eq3A_69 : i32
      %jit3A_71 = arith.constant 1 : i32
      %select_n3A_72 = arith.select %eq3A_70, %jit3A_71, %jit3A_68 : i32
      %rem3A_73 = arith.remsi %squeeze3A, %select_n3A_72 : i32
      %ne3A_74 = arith.constant 0 : i32
      %ne3A_75 = arith.cmpi ne, %rem3A_73, %ne3A_74 : i32
      %lt3A_76 = arith.constant 0 : i32
      %lt3A_77 = arith.cmpi slt, %rem3A_73, %lt3A_76 : i32
      %lt3A_78 = arith.constant 0 : i32
      %lt3A_79 = arith.cmpi slt, %select_n3A_72, %lt3A_78 : i32
      %ne3A_80 = arith.xori %lt3A_77, %lt3A_79 : i1
      %and3A_81 = arith.andi %ne3A_80, %ne3A_75 : i1
      %add3A_82 = arith.addi %rem3A_73, %select_n3A_72 : i32
      %select_n3A_83 = arith.select %and3A_81, %add3A_82, %rem3A_73 : i32
      %eq3A_84 = vector.broadcast %select_n3A_83 : i32 to vector<16xi32>
      %eq3A_85 = arith.cmpi eq, %iota3A, %eq3A_84 : vector<16xi32>
      %jit3A_86 = arith.constant 0.000000e+00 : f32
      %broadcast_in_dim3A_87 = vector.broadcast %jit3A_86 : f32 to vector<16xf32>
      %select_n3A_88 = arith.select %eq3A_85, %get3A_67, %broadcast_in_dim3A_87 : vector<16xi1>, vector<16xf32>
      %ne3A_89 = arith.constant 0 : i32
      %ne3A_90 = arith.cmpi ne, %squeeze3A, %ne3A_89 : i32
      %jit3A_91 = arith.constant 1.000000e+00 : f32
      %jit3A_92 = arith.constant 0.000000e+00 : f32
      %select_n3A_93 = arith.select %ne3A_90, %jit3A_91, %jit3A_92 : f32
      %mul3A_94 = vector.broadcast %select_n3A_93 : f32 to vector<16xf32>
      %mul3A_95 = arith.mulf %mul3A_94, %select_n3A_88 : vector<16xf32>
      %add3A_96 = arith.addf %scan3A_24, %mul3A_95 : vector<16xf32>
      %slice3A_97 = vector.extract_strided_slice %get3A_28 {offsets = [1], sizes = [1], strides = [1]} : vector<16xi32> to vector<1xi32>
      %squeeze3A_98 = vector.extract %slice3A_97[0] : i32 from vector<1xi32>
      %jit3A_99 = arith.constant 128 : i32
      %eq3A_100 = arith.constant 0 : i32
      %eq3A_101 = arith.cmpi eq, %jit3A_99, %eq3A_100 : i32
      %jit3A_102 = arith.constant 1 : i32
      %select_n3A_103 = arith.select %eq3A_101, %jit3A_102, %jit3A_99 : i32
      %rem3A_104 = arith.remsi %squeeze3A_98, %select_n3A_103 : i32
      %ne3A_105 = arith.constant 0 : i32
      %ne3A_106 = arith.cmpi ne, %rem3A_104, %ne3A_105 : i32
      %lt3A_107 = arith.constant 0 : i32
      %lt3A_108 = arith.cmpi slt, %rem3A_104, %lt3A_107 : i32
      %lt3A_109 = arith.constant 0 : i32
      %lt3A_110 = arith.cmpi slt, %select_n3A_103, %lt3A_109 : i32
      %ne3A_111 = arith.xori %lt3A_108, %lt3A_110 : i1
      %and3A_112 = arith.andi %ne3A_111, %ne3A_106 : i1
      %add3A_113 = arith.addi %rem3A_104, %select_n3A_103 : i32
      %select_n3A_114 = arith.select %and3A_112, %add3A_113, %rem3A_104 : i32
      %jit3A_115 = arith.constant 16 : i32
      %div3A_116 = arith.divsi %select_n3A_114, %jit3A_115 : i32
      %sign3A_117 = arith.constant 0 : i32
      %sign3A_118 = arith.cmpi sgt, %select_n3A_114, %sign3A_117 : i32
      %sign3A_119 = arith.extui %sign3A_118 : i1 to i32
      %sign3A_120 = arith.constant 0 : i32
      %sign3A_121 = arith.cmpi slt, %select_n3A_114, %sign3A_120 : i32
      %sign3A_122 = arith.extui %sign3A_121 : i1 to i32
      %sign3A_123 = arith.subi %sign3A_119, %sign3A_122 : i32
      %sign3A_124 = arith.constant 0 : i32
      %sign3A_125 = arith.cmpi sgt, %jit3A_115, %sign3A_124 : i32
      %sign3A_126 = arith.extui %sign3A_125 : i1 to i32
      %sign3A_127 = arith.constant 0 : i32
      %sign3A_128 = arith.cmpi slt, %jit3A_115, %sign3A_127 : i32
      %sign3A_129 = arith.extui %sign3A_128 : i1 to i32
      %sign3A_130 = arith.subi %sign3A_126, %sign3A_129 : i32
      %ne3A_131 = arith.cmpi ne, %sign3A_123, %sign3A_130 : i32
      %rem3A_132 = arith.remsi %select_n3A_114, %jit3A_115 : i32
      %ne3A_133 = arith.constant 0 : i32
      %ne3A_134 = arith.cmpi ne, %rem3A_132, %ne3A_133 : i32
      %and3A_135 = arith.andi %ne3A_131, %ne3A_134 : i1
      %sub3A_136 = arith.constant 1 : i32
      %sub3A_137 = arith.subi %div3A_116, %sub3A_136 : i32
      %select_n3A_138 = arith.select %and3A_135, %sub3A_137, %div3A_116 : i32
      %mul3A_139 = arith.constant 16 : i32
      %mul3A_140 = arith.muli %select_n3A_138, %mul3A_139 : i32
      %multiple_of3A_141 = tpu.assume_multiple %mul3A_140, 16 : i32
      %add3A_142 = arith.constant 1 : i32
      %add3A_143 = arith.addi %multiple_of3A, %add3A_142 : i32
      %get3A_144 = arith.index_cast %add3A_143 : i32 to index
      %get3A_145 = arith.index_cast %multiple_of3A_141 : i32 to index
      %get3A_146 = tpu.vector_load %arg6[%get3A_144, %get3A_145] {strides = array<i32>} : memref<64x128xf32, #tpu.memory_space<vmem>>, vector<1x16xf32>,
      %get3A_147 = vector.shape_cast %get3A_146 : vector<1x16xf32> to vector<16xf32>
      %jit3A_148 = arith.constant 16 : i32
      %eq3A_149 = arith.constant 0 : i32
      %eq3A_150 = arith.cmpi eq, %jit3A_148, %eq3A_149 : i32
      %jit3A_151 = arith.constant 1 : i32
      %select_n3A_152 = arith.select %eq3A_150, %jit3A_151, %jit3A_148 : i32
      %rem3A_153 = arith.remsi %squeeze3A_98, %select_n3A_152 : i32
      %ne3A_154 = arith.constant 0 : i32
      %ne3A_155 = arith.cmpi ne, %rem3A_153, %ne3A_154 : i32
      %lt3A_156 = arith.constant 0 : i32
      %lt3A_157 = arith.cmpi slt, %rem3A_153, %lt3A_156 : i32
      %lt3A_158 = arith.constant 0 : i32
      %lt3A_159 = arith.cmpi slt, %select_n3A_152, %lt3A_158 : i32
      %ne3A_160 = arith.xori %lt3A_157, %lt3A_159 : i1
      %and3A_161 = arith.andi %ne3A_160, %ne3A_155 : i1
      %add3A_162 = arith.addi %rem3A_153, %select_n3A_152 : i32
      %select_n3A_163 = arith.select %and3A_161, %add3A_162, %rem3A_153 : i32
      %eq3A_164 = vector.broadcast %select_n3A_163 : i32 to vector<16xi32>
      %eq3A_165 = arith.cmpi eq, %iota3A, %eq3A_164 : vector<16xi32>
      %jit3A_166 = arith.constant 0.000000e+00 : f32
      %broadcast_in_dim3A_167 = vector.broadcast %jit3A_166 : f32 to vector<16xf32>
      %select_n3A_168 = arith.select %eq3A_165, %get3A_147, %broadcast_in_dim3A_167 : vector<16xi1>, vector<16xf32>
      %ne3A_169 = arith.constant 0 : i32
      %ne3A_170 = arith.cmpi ne, %squeeze3A_98, %ne3A_169 : i32
      %jit3A_171 = arith.constant 1.000000e+00 : f32
      %jit3A_172 = arith.constant 0.000000e+00 : f32
      %select_n3A_173 = arith.select %ne3A_170, %jit3A_171, %jit3A_172 : f32
      %mul3A_174 = vector.broadcast %select_n3A_173 : f32 to vector<16xf32>
      %mul3A_175 = arith.mulf %mul3A_174, %select_n3A_168 : vector<16xf32>
      %add3A_176 = arith.addf %add3A_96, %mul3A_175 : vector<16xf32>
      %slice3A_177 = vector.extract_strided_slice %get3A_28 {offsets = [2], sizes = [1], strides = [1]} : vector<16xi32> to vector<1xi32>
      %squeeze3A_178 = vector.extract %slice3A_177[0] : i32 from vector<1xi32>
      %jit3A_179 = arith.constant 128 : i32
      %eq3A_180 = arith.constant 0 : i32
      %eq3A_181 = arith.cmpi eq, %jit3A_179, %eq3A_180 : i32
      %jit3A_182 = arith.constant 1 : i32
      %select_n3A_183 = arith.select %eq3A_181, %jit3A_182, %jit3A_179 : i32
      %rem3A_184 = arith.remsi %squeeze3A_178, %select_n3A_183 : i32
      %ne3A_185 = arith.constant 0 : i32
      %ne3A_186 = arith.cmpi ne, %rem3A_184, %ne3A_185 : i32
      %lt3A_187 = arith.constant 0 : i32
      %lt3A_188 = arith.cmpi slt, %rem3A_184, %lt3A_187 : i32
      %lt3A_189 = arith.constant 0 : i32
      %lt3A_190 = arith.cmpi slt, %select_n3A_183, %lt3A_189 : i32
      %ne3A_191 = arith.xori %lt3A_188, %lt3A_190 : i1
      %and3A_192 = arith.andi %ne3A_191, %ne3A_186 : i1
      %add3A_193 = arith.addi %rem3A_184, %select_n3A_183 : i32
      %select_n3A_194 = arith.select %and3A_192, %add3A_193, %rem3A_184 : i32
      %jit3A_195 = arith.constant 16 : i32
      %div3A_196 = arith.divsi %select_n3A_194, %jit3A_195 : i32
      %sign3A_197 = arith.constant 0 : i32
      %sign3A_198 = arith.cmpi sgt, %select_n3A_194, %sign3A_197 : i32
      %sign3A_199 = arith.extui %sign3A_198 : i1 to i32
      %sign3A_200 = arith.constant 0 : i32
      %sign3A_201 = arith.cmpi slt, %select_n3A_194, %sign3A_200 : i32
      %sign3A_202 = arith.extui %sign3A_201 : i1 to i32
      %sign3A_203 = arith.subi %sign3A_199, %sign3A_202 : i32
      %sign3A_204 = arith.constant 0 : i32
      %sign3A_205 = arith.cmpi sgt, %jit3A_195, %sign3A_204 : i32
      %sign3A_206 = arith.extui %sign3A_205 : i1 to i32
      %sign3A_207 = arith.constant 0 : i32
      %sign3A_208 = arith.cmpi slt, %jit3A_195, %sign3A_207 : i32
      %sign3A_209 = arith.extui %sign3A_208 : i1 to i32
      %sign3A_210 = arith.subi %sign3A_206, %sign3A_209 : i32
      %ne3A_211 = arith.cmpi ne, %sign3A_203, %sign3A_210 : i32
      %rem3A_212 = arith.remsi %select_n3A_194, %jit3A_195 : i32
      %ne3A_213 = arith.constant 0 : i32
      %ne3A_214 = arith.cmpi ne, %rem3A_212, %ne3A_213 : i32
      %and3A_215 = arith.andi %ne3A_211, %ne3A_214 : i1
      %sub3A_216 = arith.constant 1 : i32
      %sub3A_217 = arith.subi %div3A_196, %sub3A_216 : i32
      %select_n3A_218 = arith.select %and3A_215, %sub3A_217, %div3A_196 : i32
      %mul3A_219 = arith.constant 16 : i32
      %mul3A_220 = arith.muli %select_n3A_218, %mul3A_219 : i32
      %multiple_of3A_221 = tpu.assume_multiple %mul3A_220, 16 : i32
      %add3A_222 = arith.constant 2 : i32
      %add3A_223 = arith.addi %multiple_of3A, %add3A_222 : i32
      %get3A_224 = arith.index_cast %add3A_223 : i32 to index
      %get3A_225 = arith.index_cast %multiple_of3A_221 : i32 to index
      %get3A_226 = tpu.vector_load %arg6[%get3A_224, %get3A_225] {strides = array<i32>} : memref<64x128xf32, #tpu.memory_space<vmem>>, vector<1x16xf32>,
      %get3A_227 = vector.shape_cast %get3A_226 : vector<1x16xf32> to vector<16xf32>
      %jit3A_228 = arith.constant 16 : i32
      %eq3A_229 = arith.constant 0 : i32
      %eq3A_230 = arith.cmpi eq, %jit3A_228, %eq3A_229 : i32
      %jit3A_231 = arith.constant 1 : i32
      %select_n3A_232 = arith.select %eq3A_230, %jit3A_231, %jit3A_228 : i32
      %rem3A_233 = arith.remsi %squeeze3A_178, %select_n3A_232 : i32
      %ne3A_234 = arith.constant 0 : i32
      %ne3A_235 = arith.cmpi ne, %rem3A_233, %ne3A_234 : i32
      %lt3A_236 = arith.constant 0 : i32
      %lt3A_237 = arith.cmpi slt, %rem3A_233, %lt3A_236 : i32
      %lt3A_238 = arith.constant 0 : i32
      %lt3A_239 = arith.cmpi slt, %select_n3A_232, %lt3A_238 : i32
      %ne3A_240 = arith.xori %lt3A_237, %lt3A_239 : i1
      %and3A_241 = arith.andi %ne3A_240, %ne3A_235 : i1
      %add3A_242 = arith.addi %rem3A_233, %select_n3A_232 : i32
      %select_n3A_243 = arith.select %and3A_241, %add3A_242, %rem3A_233 : i32
      %eq3A_244 = vector.broadcast %select_n3A_243 : i32 to vector<16xi32>
      %eq3A_245 = arith.cmpi eq, %iota3A, %eq3A_244 : vector<16xi32>
      %jit3A_246 = arith.constant 0.000000e+00 : f32
      %broadcast_in_dim3A_247 = vector.broadcast %jit3A_246 : f32 to vector<16xf32>
      %select_n3A_248 = arith.select %eq3A_245, %get3A_227, %broadcast_in_dim3A_247 : vector<16xi1>, vector<16xf32>
      %ne3A_249 = arith.constant 0 : i32
      %ne3A_250 = arith.cmpi ne, %squeeze3A_178, %ne3A_249 : i32
      %jit3A_251 = arith.constant 1.000000e+00 : f32
      %jit3A_252 = arith.constant 0.000000e+00 : f32
      %select_n3A_253 = arith.select %ne3A_250, %jit3A_251, %jit3A_252 : f32
      %mul3A_254 = vector.broadcast %select_n3A_253 : f32 to vector<16xf32>
      %mul3A_255 = arith.mulf %mul3A_254, %select_n3A_248 : vector<16xf32>
      %add3A_256 = arith.addf %add3A_176, %mul3A_255 : vector<16xf32>
      %slice3A_257 = vector.extract_strided_slice %get3A_28 {offsets = [3], sizes = [1], strides = [1]} : vector<16xi32> to vector<1xi32>
      %squeeze3A_258 = vector.extract %slice3A_257[0] : i32 from vector<1xi32>
      %jit3A_259 = arith.constant 128 : i32
      %eq3A_260 = arith.constant 0 : i32
      %eq3A_261 = arith.cmpi eq, %jit3A_259, %eq3A_260 : i32
      %jit3A_262 = arith.constant 1 : i32
      %select_n3A_263 = arith.select %eq3A_261, %jit3A_262, %jit3A_259 : i32
      %rem3A_264 = arith.remsi %squeeze3A_258, %select_n3A_263 : i32
      %ne3A_265 = arith.constant 0 : i32
      %ne3A_266 = arith.cmpi ne, %rem3A_264, %ne3A_265 : i32
      %lt3A_267 = arith.constant 0 : i32
      %lt3A_268 = arith.cmpi slt, %rem3A_264, %lt3A_267 : i32
      %lt3A_269 = arith.constant 0 : i32
      %lt3A_270 = arith.cmpi slt, %select_n3A_263, %lt3A_269 : i32
      %ne3A_271 = arith.xori %lt3A_268, %lt3A_270 : i1
      %and3A_272 = arith.andi %ne3A_271, %ne3A_266 : i1
      %add3A_273 = arith.addi %rem3A_264, %select_n3A_263 : i32
      %select_n3A_274 = arith.select %and3A_272, %add3A_273, %rem3A_264 : i32
      %jit3A_275 = arith.constant 16 : i32
      %div3A_276 = arith.divsi %select_n3A_274, %jit3A_275 : i32
      %sign3A_277 = arith.constant 0 : i32
      %sign3A_278 = arith.cmpi sgt, %select_n3A_274, %sign3A_277 : i32
      %sign3A_279 = arith.extui %sign3A_278 : i1 to i32
      %sign3A_280 = arith.constant 0 : i32
      %sign3A_281 = arith.cmpi slt, %select_n3A_274, %sign3A_280 : i32
      %sign3A_282 = arith.extui %sign3A_281 : i1 to i32
      %sign3A_283 = arith.subi %sign3A_279, %sign3A_282 : i32
      %sign3A_284 = arith.constant 0 : i32
      %sign3A_285 = arith.cmpi sgt, %jit3A_275, %sign3A_284 : i32
      %sign3A_286 = arith.extui %sign3A_285 : i1 to i32
      %sign3A_287 = arith.constant 0 : i32
      %sign3A_288 = arith.cmpi slt, %jit3A_275, %sign3A_287 : i32
      %sign3A_289 = arith.extui %sign3A_288 : i1 to i32
      %sign3A_290 = arith.subi %sign3A_286, %sign3A_289 : i32
      %ne3A_291 = arith.cmpi ne, %sign3A_283, %sign3A_290 : i32
      %rem3A_292 = arith.remsi %select_n3A_274, %jit3A_275 : i32
      %ne3A_293 = arith.constant 0 : i32
      %ne3A_294 = arith.cmpi ne, %rem3A_292, %ne3A_293 : i32
      %and3A_295 = arith.andi %ne3A_291, %ne3A_294 : i1
      %sub3A_296 = arith.constant 1 : i32
      %sub3A_297 = arith.subi %div3A_276, %sub3A_296 : i32
      %select_n3A_298 = arith.select %and3A_295, %sub3A_297, %div3A_276 : i32
      %mul3A_299 = arith.constant 16 : i32
      %mul3A_300 = arith.muli %select_n3A_298, %mul3A_299 : i32
      %multiple_of3A_301 = tpu.assume_multiple %mul3A_300, 16 : i32
      %add3A_302 = arith.constant 3 : i32
      %add3A_303 = arith.addi %multiple_of3A, %add3A_302 : i32
      %get3A_304 = arith.index_cast %add3A_303 : i32 to index
      %get3A_305 = arith.index_cast %multiple_of3A_301 : i32 to index
      %get3A_306 = tpu.vector_load %arg6[%get3A_304, %get3A_305] {strides = array<i32>} : memref<64x128xf32, #tpu.memory_space<vmem>>, vector<1x16xf32>,
      %get3A_307 = vector.shape_cast %get3A_306 : vector<1x16xf32> to vector<16xf32>
      %jit3A_308 = arith.constant 16 : i32
      %eq3A_309 = arith.constant 0 : i32
      %eq3A_310 = arith.cmpi eq, %jit3A_308, %eq3A_309 : i32
      %jit3A_311 = arith.constant 1 : i32
      %select_n3A_312 = arith.select %eq3A_310, %jit3A_311, %jit3A_308 : i32
      %rem3A_313 = arith.remsi %squeeze3A_258, %select_n3A_312 : i32
      %ne3A_314 = arith.constant 0 : i32
      %ne3A_315 = arith.cmpi ne, %rem3A_313, %ne3A_314 : i32
      %lt3A_316 = arith.constant 0 : i32
      %lt3A_317 = arith.cmpi slt, %rem3A_313, %lt3A_316 : i32
      %lt3A_318 = arith.constant 0 : i32
      %lt3A_319 = arith.cmpi slt, %select_n3A_312, %lt3A_318 : i32
      %ne3A_320 = arith.xori %lt3A_317, %lt3A_319 : i1
      %and3A_321 = arith.andi %ne3A_320, %ne3A_315 : i1
      %add3A_322 = arith.addi %rem3A_313, %select_n3A_312 : i32
      %select_n3A_323 = arith.select %and3A_321, %add3A_322, %rem3A_313 : i32
      %eq3A_324 = vector.broadcast %select_n3A_323 : i32 to vector<16xi32>
      %eq3A_325 = arith.cmpi eq, %iota3A, %eq3A_324 : vector<16xi32>
      %jit3A_326 = arith.constant 0.000000e+00 : f32
      %broadcast_in_dim3A_327 = vector.broadcast %jit3A_326 : f32 to vector<16xf32>
      %select_n3A_328 = arith.select %eq3A_325, %get3A_307, %broadcast_in_dim3A_327 : vector<16xi1>, vector<16xf32>
      %ne3A_329 = arith.constant 0 : i32
      %ne3A_330 = arith.cmpi ne, %squeeze3A_258, %ne3A_329 : i32
      %jit3A_331 = arith.constant 1.000000e+00 : f32
      %jit3A_332 = arith.constant 0.000000e+00 : f32
      %select_n3A_333 = arith.select %ne3A_330, %jit3A_331, %jit3A_332 : f32
      %mul3A_334 = vector.broadcast %select_n3A_333 : f32 to vector<16xf32>
      %mul3A_335 = arith.mulf %mul3A_334, %select_n3A_328 : vector<16xf32>
      %add3A_336 = arith.addf %add3A_256, %mul3A_335 : vector<16xf32>
      %slice3A_337 = vector.extract_strided_slice %get3A_28 {offsets = [4], sizes = [1], strides = [1]} : vector<16xi32> to vector<1xi32>
      %squeeze3A_338 = vector.extract %slice3A_337[0] : i32 from vector<1xi32>
      %jit3A_339 = arith.constant 128 : i32
      %eq3A_340 = arith.constant 0 : i32
      %eq3A_341 = arith.cmpi eq, %jit3A_339, %eq3A_340 : i32
      %jit3A_342 = arith.constant 1 : i32
      %select_n3A_343 = arith.select %eq3A_341, %jit3A_342, %jit3A_339 : i32
      %rem3A_344 = arith.remsi %squeeze3A_338, %select_n3A_343 : i32
      %ne3A_345 = arith.constant 0 : i32
      %ne3A_346 = arith.cmpi ne, %rem3A_344, %ne3A_345 : i32
      %lt3A_347 = arith.constant 0 : i32
      %lt3A_348 = arith.cmpi slt, %rem3A_344, %lt3A_347 : i32
      %lt3A_349 = arith.constant 0 : i32
      %lt3A_350 = arith.cmpi slt, %select_n3A_343, %lt3A_349 : i32
      %ne3A_351 = arith.xori %lt3A_348, %lt3A_350 : i1
      %and3A_352 = arith.andi %ne3A_351, %ne3A_346 : i1
      %add3A_353 = arith.addi %rem3A_344, %select_n3A_343 : i32
      %select_n3A_354 = arith.select %and3A_352, %add3A_353, %rem3A_344 : i32
      %jit3A_355 = arith.constant 16 : i32
      %div3A_356 = arith.divsi %select_n3A_354, %jit3A_355 : i32
      %sign3A_357 = arith.constant 0 : i32
      %sign3A_358 = arith.cmpi sgt, %select_n3A_354, %sign3A_357 : i32
      %sign3A_359 = arith.extui %sign3A_358 : i1 to i32
      %sign3A_360 = arith.constant 0 : i32
      %sign3A_361 = arith.cmpi slt, %select_n3A_354, %sign3A_360 : i32
      %sign3A_362 = arith.extui %sign3A_361 : i1 to i32
      %sign3A_363 = arith.subi %sign3A_359, %sign3A_362 : i32
      %sign3A_364 = arith.constant 0 : i32
      %sign3A_365 = arith.cmpi sgt, %jit3A_355, %sign3A_364 : i32
      %sign3A_366 = arith.extui %sign3A_365 : i1 to i32
      %sign3A_367 = arith.constant 0 : i32
      %sign3A_368 = arith.cmpi slt, %jit3A_355, %sign3A_367 : i32
      %sign3A_369 = arith.extui %sign3A_368 : i1 to i32
      %sign3A_370 = arith.subi %sign3A_366, %sign3A_369 : i32
      %ne3A_371 = arith.cmpi ne, %sign3A_363, %sign3A_370 : i32
      %rem3A_372 = arith.remsi %select_n3A_354, %jit3A_355 : i32
      %ne3A_373 = arith.constant 0 : i32
      %ne3A_374 = arith.cmpi ne, %rem3A_372, %ne3A_373 : i32
      %and3A_375 = arith.andi %ne3A_371, %ne3A_374 : i1
      %sub3A_376 = arith.constant 1 : i32
      %sub3A_377 = arith.subi %div3A_356, %sub3A_376 : i32
      %select_n3A_378 = arith.select %and3A_375, %sub3A_377, %div3A_356 : i32
      %mul3A_379 = arith.constant 16 : i32
      %mul3A_380 = arith.muli %select_n3A_378, %mul3A_379 : i32
      %multiple_of3A_381 = tpu.assume_multiple %mul3A_380, 16 : i32
      %add3A_382 = arith.constant 4 : i32
      %add3A_383 = arith.addi %multiple_of3A, %add3A_382 : i32
      %get3A_384 = arith.index_cast %add3A_383 : i32 to index
      %get3A_385 = arith.index_cast %multiple_of3A_381 : i32 to index
      %get3A_386 = tpu.vector_load %arg6[%get3A_384, %get3A_385] {strides = array<i32>} : memref<64x128xf32, #tpu.memory_space<vmem>>, vector<1x16xf32>,
      %get3A_387 = vector.shape_cast %get3A_386 : vector<1x16xf32> to vector<16xf32>
      %jit3A_388 = arith.constant 16 : i32
      %eq3A_389 = arith.constant 0 : i32
      %eq3A_390 = arith.cmpi eq, %jit3A_388, %eq3A_389 : i32
      %jit3A_391 = arith.constant 1 : i32
      %select_n3A_392 = arith.select %eq3A_390, %jit3A_391, %jit3A_388 : i32
      %rem3A_393 = arith.remsi %squeeze3A_338, %select_n3A_392 : i32
      %ne3A_394 = arith.constant 0 : i32
      %ne3A_395 = arith.cmpi ne, %rem3A_393, %ne3A_394 : i32
      %lt3A_396 = arith.constant 0 : i32
      %lt3A_397 = arith.cmpi slt, %rem3A_393, %lt3A_396 : i32
      %lt3A_398 = arith.constant 0 : i32
      %lt3A_399 = arith.cmpi slt, %select_n3A_392, %lt3A_398 : i32
      %ne3A_400 = arith.xori %lt3A_397, %lt3A_399 : i1
      %and3A_401 = arith.andi %ne3A_400, %ne3A_395 : i1
      %add3A_402 = arith.addi %rem3A_393, %select_n3A_392 : i32
      %select_n3A_403 = arith.select %and3A_401, %add3A_402, %rem3A_393 : i32
      %eq3A_404 = vector.broadcast %select_n3A_403 : i32 to vector<16xi32>
      %eq3A_405 = arith.cmpi eq, %iota3A, %eq3A_404 : vector<16xi32>
      %jit3A_406 = arith.constant 0.000000e+00 : f32
      %broadcast_in_dim3A_407 = vector.broadcast %jit3A_406 : f32 to vector<16xf32>
      %select_n3A_408 = arith.select %eq3A_405, %get3A_387, %broadcast_in_dim3A_407 : vector<16xi1>, vector<16xf32>
      %ne3A_409 = arith.constant 0 : i32
      %ne3A_410 = arith.cmpi ne, %squeeze3A_338, %ne3A_409 : i32
      %jit3A_411 = arith.constant 1.000000e+00 : f32
      %jit3A_412 = arith.constant 0.000000e+00 : f32
      %select_n3A_413 = arith.select %ne3A_410, %jit3A_411, %jit3A_412 : f32
      %mul3A_414 = vector.broadcast %select_n3A_413 : f32 to vector<16xf32>
      %mul3A_415 = arith.mulf %mul3A_414, %select_n3A_408 : vector<16xf32>
      %add3A_416 = arith.addf %add3A_336, %mul3A_415 : vector<16xf32>
      %slice3A_417 = vector.extract_strided_slice %get3A_28 {offsets = [5], sizes = [1], strides = [1]} : vector<16xi32> to vector<1xi32>
      %squeeze3A_418 = vector.extract %slice3A_417[0] : i32 from vector<1xi32>
      %jit3A_419 = arith.constant 128 : i32
      %eq3A_420 = arith.constant 0 : i32
      %eq3A_421 = arith.cmpi eq, %jit3A_419, %eq3A_420 : i32
      %jit3A_422 = arith.constant 1 : i32
      %select_n3A_423 = arith.select %eq3A_421, %jit3A_422, %jit3A_419 : i32
      %rem3A_424 = arith.remsi %squeeze3A_418, %select_n3A_423 : i32
      %ne3A_425 = arith.constant 0 : i32
      %ne3A_426 = arith.cmpi ne, %rem3A_424, %ne3A_425 : i32
      %lt3A_427 = arith.constant 0 : i32
      %lt3A_428 = arith.cmpi slt, %rem3A_424, %lt3A_427 : i32
      %lt3A_429 = arith.constant 0 : i32
      %lt3A_430 = arith.cmpi slt, %select_n3A_423, %lt3A_429 : i32
      %ne3A_431 = arith.xori %lt3A_428, %lt3A_430 : i1
      %and3A_432 = arith.andi %ne3A_431, %ne3A_426 : i1
      %add3A_433 = arith.addi %rem3A_424, %select_n3A_423 : i32
      %select_n3A_434 = arith.select %and3A_432, %add3A_433, %rem3A_424 : i32
      %jit3A_435 = arith.constant 16 : i32
      %div3A_436 = arith.divsi %select_n3A_434, %jit3A_435 : i32
      %sign3A_437 = arith.constant 0 : i32
      %sign3A_438 = arith.cmpi sgt, %select_n3A_434, %sign3A_437 : i32
      %sign3A_439 = arith.extui %sign3A_438 : i1 to i32
      %sign3A_440 = arith.constant 0 : i32
      %sign3A_441 = arith.cmpi slt, %select_n3A_434, %sign3A_440 : i32
      %sign3A_442 = arith.extui %sign3A_441 : i1 to i32
      %sign3A_443 = arith.subi %sign3A_439, %sign3A_442 : i32
      %sign3A_444 = arith.constant 0 : i32
      %sign3A_445 = arith.cmpi sgt, %jit3A_435, %sign3A_444 : i32
      %sign3A_446 = arith.extui %sign3A_445 : i1 to i32
      %sign3A_447 = arith.constant 0 : i32
      %sign3A_448 = arith.cmpi slt, %jit3A_435, %sign3A_447 : i32
      %sign3A_449 = arith.extui %sign3A_448 : i1 to i32
      %sign3A_450 = arith.subi %sign3A_446, %sign3A_449 : i32
      %ne3A_451 = arith.cmpi ne, %sign3A_443, %sign3A_450 : i32
      %rem3A_452 = arith.remsi %select_n3A_434, %jit3A_435 : i32
      %ne3A_453 = arith.constant 0 : i32
      %ne3A_454 = arith.cmpi ne, %rem3A_452, %ne3A_453 : i32
      %and3A_455 = arith.andi %ne3A_451, %ne3A_454 : i1
      %sub3A_456 = arith.constant 1 : i32
      %sub3A_457 = arith.subi %div3A_436, %sub3A_456 : i32
      %select_n3A_458 = arith.select %and3A_455, %sub3A_457, %div3A_436 : i32
      %mul3A_459 = arith.constant 16 : i32
      %mul3A_460 = arith.muli %select_n3A_458, %mul3A_459 : i32
      %multiple_of3A_461 = tpu.assume_multiple %mul3A_460, 16 : i32
      %add3A_462 = arith.constant 5 : i32
      %add3A_463 = arith.addi %multiple_of3A, %add3A_462 : i32
      %get3A_464 = arith.index_cast %add3A_463 : i32 to index
      %get3A_465 = arith.index_cast %multiple_of3A_461 : i32 to index
      %get3A_466 = tpu.vector_load %arg6[%get3A_464, %get3A_465] {strides = array<i32>} : memref<64x128xf32, #tpu.memory_space<vmem>>, vector<1x16xf32>,
      %get3A_467 = vector.shape_cast %get3A_466 : vector<1x16xf32> to vector<16xf32>
      %jit3A_468 = arith.constant 16 : i32
      %eq3A_469 = arith.constant 0 : i32
      %eq3A_470 = arith.cmpi eq, %jit3A_468, %eq3A_469 : i32
      %jit3A_471 = arith.constant 1 : i32
      %select_n3A_472 = arith.select %eq3A_470, %jit3A_471, %jit3A_468 : i32
      %rem3A_473 = arith.remsi %squeeze3A_418, %select_n3A_472 : i32
      %ne3A_474 = arith.constant 0 : i32
      %ne3A_475 = arith.cmpi ne, %rem3A_473, %ne3A_474 : i32
      %lt3A_476 = arith.constant 0 : i32
      %lt3A_477 = arith.cmpi slt, %rem3A_473, %lt3A_476 : i32
      %lt3A_478 = arith.constant 0 : i32
      %lt3A_479 = arith.cmpi slt, %select_n3A_472, %lt3A_478 : i32
      %ne3A_480 = arith.xori %lt3A_477, %lt3A_479 : i1
      %and3A_481 = arith.andi %ne3A_480, %ne3A_475 : i1
      %add3A_482 = arith.addi %rem3A_473, %select_n3A_472 : i32
      %select_n3A_483 = arith.select %and3A_481, %add3A_482, %rem3A_473 : i32
      %eq3A_484 = vector.broadcast %select_n3A_483 : i32 to vector<16xi32>
      %eq3A_485 = arith.cmpi eq, %iota3A, %eq3A_484 : vector<16xi32>
      %jit3A_486 = arith.constant 0.000000e+00 : f32
      %broadcast_in_dim3A_487 = vector.broadcast %jit3A_486 : f32 to vector<16xf32>
      %select_n3A_488 = arith.select %eq3A_485, %get3A_467, %broadcast_in_dim3A_487 : vector<16xi1>, vector<16xf32>
      %ne3A_489 = arith.constant 0 : i32
      %ne3A_490 = arith.cmpi ne, %squeeze3A_418, %ne3A_489 : i32
      %jit3A_491 = arith.constant 1.000000e+00 : f32
      %jit3A_492 = arith.constant 0.000000e+00 : f32
      %select_n3A_493 = arith.select %ne3A_490, %jit3A_491, %jit3A_492 : f32
      %mul3A_494 = vector.broadcast %select_n3A_493 : f32 to vector<16xf32>
      %mul3A_495 = arith.mulf %mul3A_494, %select_n3A_488 : vector<16xf32>
      %add3A_496 = arith.addf %add3A_416, %mul3A_495 : vector<16xf32>
      %slice3A_497 = vector.extract_strided_slice %get3A_28 {offsets = [6], sizes = [1], strides = [1]} : vector<16xi32> to vector<1xi32>
      %squeeze3A_498 = vector.extract %slice3A_497[0] : i32 from vector<1xi32>
      %jit3A_499 = arith.constant 128 : i32
      %eq3A_500 = arith.constant 0 : i32
      %eq3A_501 = arith.cmpi eq, %jit3A_499, %eq3A_500 : i32
      %jit3A_502 = arith.constant 1 : i32
      %select_n3A_503 = arith.select %eq3A_501, %jit3A_502, %jit3A_499 : i32
      %rem3A_504 = arith.remsi %squeeze3A_498, %select_n3A_503 : i32
      %ne3A_505 = arith.constant 0 : i32
      %ne3A_506 = arith.cmpi ne, %rem3A_504, %ne3A_505 : i32
      %lt3A_507 = arith.constant 0 : i32
      %lt3A_508 = arith.cmpi slt, %rem3A_504, %lt3A_507 : i32
      %lt3A_509 = arith.constant 0 : i32
      %lt3A_510 = arith.cmpi slt, %select_n3A_503, %lt3A_509 : i32
      %ne3A_511 = arith.xori %lt3A_508, %lt3A_510 : i1
      %and3A_512 = arith.andi %ne3A_511, %ne3A_506 : i1
      %add3A_513 = arith.addi %rem3A_504, %select_n3A_503 : i32
      %select_n3A_514 = arith.select %and3A_512, %add3A_513, %rem3A_504 : i32
      %jit3A_515 = arith.constant 16 : i32
      %div3A_516 = arith.divsi %select_n3A_514, %jit3A_515 : i32
      %sign3A_517 = arith.constant 0 : i32
      %sign3A_518 = arith.cmpi sgt, %select_n3A_514, %sign3A_517 : i32
      %sign3A_519 = arith.extui %sign3A_518 : i1 to i32
      %sign3A_520 = arith.constant 0 : i32
      %sign3A_521 = arith.cmpi slt, %select_n3A_514, %sign3A_520 : i32
      %sign3A_522 = arith.extui %sign3A_521 : i1 to i32
      %sign3A_523 = arith.subi %sign3A_519, %sign3A_522 : i32
      %sign3A_524 = arith.constant 0 : i32
      %sign3A_525 = arith.cmpi sgt, %jit3A_515, %sign3A_524 : i32
      %sign3A_526 = arith.extui %sign3A_525 : i1 to i32
      %sign3A_527 = arith.constant 0 : i32
      %sign3A_528 = arith.cmpi slt, %jit3A_515, %sign3A_527 : i32
      %sign3A_529 = arith.extui %sign3A_528 : i1 to i32
      %sign3A_530 = arith.subi %sign3A_526, %sign3A_529 : i32
      %ne3A_531 = arith.cmpi ne, %sign3A_523, %sign3A_530 : i32
      %rem3A_532 = arith.remsi %select_n3A_514, %jit3A_515 : i32
      %ne3A_533 = arith.constant 0 : i32
      %ne3A_534 = arith.cmpi ne, %rem3A_532, %ne3A_533 : i32
      %and3A_535 = arith.andi %ne3A_531, %ne3A_534 : i1
      %sub3A_536 = arith.constant 1 : i32
      %sub3A_537 = arith.subi %div3A_516, %sub3A_536 : i32
      %select_n3A_538 = arith.select %and3A_535, %sub3A_537, %div3A_516 : i32
      %mul3A_539 = arith.constant 16 : i32
      %mul3A_540 = arith.muli %select_n3A_538, %mul3A_539 : i32
      %multiple_of3A_541 = tpu.assume_multiple %mul3A_540, 16 : i32
      %add3A_542 = arith.constant 6 : i32
      %add3A_543 = arith.addi %multiple_of3A, %add3A_542 : i32
      %get3A_544 = arith.index_cast %add3A_543 : i32 to index
      %get3A_545 = arith.index_cast %multiple_of3A_541 : i32 to index
      %get3A_546 = tpu.vector_load %arg6[%get3A_544, %get3A_545] {strides = array<i32>} : memref<64x128xf32, #tpu.memory_space<vmem>>, vector<1x16xf32>,
      %get3A_547 = vector.shape_cast %get3A_546 : vector<1x16xf32> to vector<16xf32>
      %jit3A_548 = arith.constant 16 : i32
      %eq3A_549 = arith.constant 0 : i32
      %eq3A_550 = arith.cmpi eq, %jit3A_548, %eq3A_549 : i32
      %jit3A_551 = arith.constant 1 : i32
      %select_n3A_552 = arith.select %eq3A_550, %jit3A_551, %jit3A_548 : i32
      %rem3A_553 = arith.remsi %squeeze3A_498, %select_n3A_552 : i32
      %ne3A_554 = arith.constant 0 : i32
      %ne3A_555 = arith.cmpi ne, %rem3A_553, %ne3A_554 : i32
      %lt3A_556 = arith.constant 0 : i32
      %lt3A_557 = arith.cmpi slt, %rem3A_553, %lt3A_556 : i32
      %lt3A_558 = arith.constant 0 : i32
      %lt3A_559 = arith.cmpi slt, %select_n3A_552, %lt3A_558 : i32
      %ne3A_560 = arith.xori %lt3A_557, %lt3A_559 : i1
      %and3A_561 = arith.andi %ne3A_560, %ne3A_555 : i1
      %add3A_562 = arith.addi %rem3A_553, %select_n3A_552 : i32
      %select_n3A_563 = arith.select %and3A_561, %add3A_562, %rem3A_553 : i32
      %eq3A_564 = vector.broadcast %select_n3A_563 : i32 to vector<16xi32>
      %eq3A_565 = arith.cmpi eq, %iota3A, %eq3A_564 : vector<16xi32>
      %jit3A_566 = arith.constant 0.000000e+00 : f32
      %broadcast_in_dim3A_567 = vector.broadcast %jit3A_566 : f32 to vector<16xf32>
      %select_n3A_568 = arith.select %eq3A_565, %get3A_547, %broadcast_in_dim3A_567 : vector<16xi1>, vector<16xf32>
      %ne3A_569 = arith.constant 0 : i32
      %ne3A_570 = arith.cmpi ne, %squeeze3A_498, %ne3A_569 : i32
      %jit3A_571 = arith.constant 1.000000e+00 : f32
      %jit3A_572 = arith.constant 0.000000e+00 : f32
      %select_n3A_573 = arith.select %ne3A_570, %jit3A_571, %jit3A_572 : f32
      %mul3A_574 = vector.broadcast %select_n3A_573 : f32 to vector<16xf32>
      %mul3A_575 = arith.mulf %mul3A_574, %select_n3A_568 : vector<16xf32>
      %add3A_576 = arith.addf %add3A_496, %mul3A_575 : vector<16xf32>
      %slice3A_577 = vector.extract_strided_slice %get3A_28 {offsets = [7], sizes = [1], strides = [1]} : vector<16xi32> to vector<1xi32>
      %squeeze3A_578 = vector.extract %slice3A_577[0] : i32 from vector<1xi32>
      %jit3A_579 = arith.constant 128 : i32
      %eq3A_580 = arith.constant 0 : i32
      %eq3A_581 = arith.cmpi eq, %jit3A_579, %eq3A_580 : i32
      %jit3A_582 = arith.constant 1 : i32
      %select_n3A_583 = arith.select %eq3A_581, %jit3A_582, %jit3A_579 : i32
      %rem3A_584 = arith.remsi %squeeze3A_578, %select_n3A_583 : i32
      %ne3A_585 = arith.constant 0 : i32
      %ne3A_586 = arith.cmpi ne, %rem3A_584, %ne3A_585 : i32
      %lt3A_587 = arith.constant 0 : i32
      %lt3A_588 = arith.cmpi slt, %rem3A_584, %lt3A_587 : i32
      %lt3A_589 = arith.constant 0 : i32
      %lt3A_590 = arith.cmpi slt, %select_n3A_583, %lt3A_589 : i32
      %ne3A_591 = arith.xori %lt3A_588, %lt3A_590 : i1
      %and3A_592 = arith.andi %ne3A_591, %ne3A_586 : i1
      %add3A_593 = arith.addi %rem3A_584, %select_n3A_583 : i32
      %select_n3A_594 = arith.select %and3A_592, %add3A_593, %rem3A_584 : i32
      %jit3A_595 = arith.constant 16 : i32
      %div3A_596 = arith.divsi %select_n3A_594, %jit3A_595 : i32
      %sign3A_597 = arith.constant 0 : i32
      %sign3A_598 = arith.cmpi sgt, %select_n3A_594, %sign3A_597 : i32
      %sign3A_599 = arith.extui %sign3A_598 : i1 to i32
      %sign3A_600 = arith.constant 0 : i32
      %sign3A_601 = arith.cmpi slt, %select_n3A_594, %sign3A_600 : i32
      %sign3A_602 = arith.extui %sign3A_601 : i1 to i32
      %sign3A_603 = arith.subi %sign3A_599, %sign3A_602 : i32
      %sign3A_604 = arith.constant 0 : i32
      %sign3A_605 = arith.cmpi sgt, %jit3A_595, %sign3A_604 : i32
      %sign3A_606 = arith.extui %sign3A_605 : i1 to i32
      %sign3A_607 = arith.constant 0 : i32
      %sign3A_608 = arith.cmpi slt, %jit3A_595, %sign3A_607 : i32
      %sign3A_609 = arith.extui %sign3A_608 : i1 to i32
      %sign3A_610 = arith.subi %sign3A_606, %sign3A_609 : i32
      %ne3A_611 = arith.cmpi ne, %sign3A_603, %sign3A_610 : i32
      %rem3A_612 = arith.remsi %select_n3A_594, %jit3A_595 : i32
      %ne3A_613 = arith.constant 0 : i32
      %ne3A_614 = arith.cmpi ne, %rem3A_612, %ne3A_613 : i32
      %and3A_615 = arith.andi %ne3A_611, %ne3A_614 : i1
      %sub3A_616 = arith.constant 1 : i32
      %sub3A_617 = arith.subi %div3A_596, %sub3A_616 : i32
      %select_n3A_618 = arith.select %and3A_615, %sub3A_617, %div3A_596 : i32
      %mul3A_619 = arith.constant 16 : i32
      %mul3A_620 = arith.muli %select_n3A_618, %mul3A_619 : i32
      %multiple_of3A_621 = tpu.assume_multiple %mul3A_620, 16 : i32
      %add3A_622 = arith.constant 7 : i32
      %add3A_623 = arith.addi %multiple_of3A, %add3A_622 : i32
      %get3A_624 = arith.index_cast %add3A_623 : i32 to index
      %get3A_625 = arith.index_cast %multiple_of3A_621 : i32 to index
      %get3A_626 = tpu.vector_load %arg6[%get3A_624, %get3A_625] {strides = array<i32>} : memref<64x128xf32, #tpu.memory_space<vmem>>, vector<1x16xf32>,
      %get3A_627 = vector.shape_cast %get3A_626 : vector<1x16xf32> to vector<16xf32>
      %jit3A_628 = arith.constant 16 : i32
      %eq3A_629 = arith.constant 0 : i32
      %eq3A_630 = arith.cmpi eq, %jit3A_628, %eq3A_629 : i32
      %jit3A_631 = arith.constant 1 : i32
      %select_n3A_632 = arith.select %eq3A_630, %jit3A_631, %jit3A_628 : i32
      %rem3A_633 = arith.remsi %squeeze3A_578, %select_n3A_632 : i32
      %ne3A_634 = arith.constant 0 : i32
      %ne3A_635 = arith.cmpi ne, %rem3A_633, %ne3A_634 : i32
      %lt3A_636 = arith.constant 0 : i32
      %lt3A_637 = arith.cmpi slt, %rem3A_633, %lt3A_636 : i32
      %lt3A_638 = arith.constant 0 : i32
      %lt3A_639 = arith.cmpi slt, %select_n3A_632, %lt3A_638 : i32
      %ne3A_640 = arith.xori %lt3A_637, %lt3A_639 : i1
      %and3A_641 = arith.andi %ne3A_640, %ne3A_635 : i1
      %add3A_642 = arith.addi %rem3A_633, %select_n3A_632 : i32
      %select_n3A_643 = arith.select %and3A_641, %add3A_642, %rem3A_633 : i32
      %eq3A_644 = vector.broadcast %select_n3A_643 : i32 to vector<16xi32>
      %eq3A_645 = arith.cmpi eq, %iota3A, %eq3A_644 : vector<16xi32>
      %jit3A_646 = arith.constant 0.000000e+00 : f32
      %broadcast_in_dim3A_647 = vector.broadcast %jit3A_646 : f32 to vector<16xf32>
      %select_n3A_648 = arith.select %eq3A_645, %get3A_627, %broadcast_in_dim3A_647 : vector<16xi1>, vector<16xf32>
      %ne3A_649 = arith.constant 0 : i32
      %ne3A_650 = arith.cmpi ne, %squeeze3A_578, %ne3A_649 : i32
      %jit3A_651 = arith.constant 1.000000e+00 : f32
      %jit3A_652 = arith.constant 0.000000e+00 : f32
      %select_n3A_653 = arith.select %ne3A_650, %jit3A_651, %jit3A_652 : f32
      %mul3A_654 = vector.broadcast %select_n3A_653 : f32 to vector<16xf32>
      %mul3A_655 = arith.mulf %mul3A_654, %select_n3A_648 : vector<16xf32>
      %add3A_656 = arith.addf %add3A_576, %mul3A_655 : vector<16xf32>
      %slice3A_657 = vector.extract_strided_slice %get3A_28 {offsets = [8], sizes = [1], strides = [1]} : vector<16xi32> to vector<1xi32>
      %squeeze3A_658 = vector.extract %slice3A_657[0] : i32 from vector<1xi32>
      %jit3A_659 = arith.constant 128 : i32
      %eq3A_660 = arith.constant 0 : i32
      %eq3A_661 = arith.cmpi eq, %jit3A_659, %eq3A_660 : i32
      %jit3A_662 = arith.constant 1 : i32
      %select_n3A_663 = arith.select %eq3A_661, %jit3A_662, %jit3A_659 : i32
      %rem3A_664 = arith.remsi %squeeze3A_658, %select_n3A_663 : i32
      %ne3A_665 = arith.constant 0 : i32
      %ne3A_666 = arith.cmpi ne, %rem3A_664, %ne3A_665 : i32
      %lt3A_667 = arith.constant 0 : i32
      %lt3A_668 = arith.cmpi slt, %rem3A_664, %lt3A_667 : i32
      %lt3A_669 = arith.constant 0 : i32
      %lt3A_670 = arith.cmpi slt, %select_n3A_663, %lt3A_669 : i32
      %ne3A_671 = arith.xori %lt3A_668, %lt3A_670 : i1
      %and3A_672 = arith.andi %ne3A_671, %ne3A_666 : i1
      %add3A_673 = arith.addi %rem3A_664, %select_n3A_663 : i32
      %select_n3A_674 = arith.select %and3A_672, %add3A_673, %rem3A_664 : i32
      %jit3A_675 = arith.constant 16 : i32
      %div3A_676 = arith.divsi %select_n3A_674, %jit3A_675 : i32
      %sign3A_677 = arith.constant 0 : i32
      %sign3A_678 = arith.cmpi sgt, %select_n3A_674, %sign3A_677 : i32
      %sign3A_679 = arith.extui %sign3A_678 : i1 to i32
      %sign3A_680 = arith.constant 0 : i32
      %sign3A_681 = arith.cmpi slt, %select_n3A_674, %sign3A_680 : i32
      %sign3A_682 = arith.extui %sign3A_681 : i1 to i32
      %sign3A_683 = arith.subi %sign3A_679, %sign3A_682 : i32
      %sign3A_684 = arith.constant 0 : i32
      %sign3A_685 = arith.cmpi sgt, %jit3A_675, %sign3A_684 : i32
      %sign3A_686 = arith.extui %sign3A_685 : i1 to i32
      %sign3A_687 = arith.constant 0 : i32
      %sign3A_688 = arith.cmpi slt, %jit3A_675, %sign3A_687 : i32
      %sign3A_689 = arith.extui %sign3A_688 : i1 to i32
      %sign3A_690 = arith.subi %sign3A_686, %sign3A_689 : i32
      %ne3A_691 = arith.cmpi ne, %sign3A_683, %sign3A_690 : i32
      %rem3A_692 = arith.remsi %select_n3A_674, %jit3A_675 : i32
      %ne3A_693 = arith.constant 0 : i32
      %ne3A_694 = arith.cmpi ne, %rem3A_692, %ne3A_693 : i32
      %and3A_695 = arith.andi %ne3A_691, %ne3A_694 : i1
      %sub3A_696 = arith.constant 1 : i32
      %sub3A_697 = arith.subi %div3A_676, %sub3A_696 : i32
      %select_n3A_698 = arith.select %and3A_695, %sub3A_697, %div3A_676 : i32
      %mul3A_699 = arith.constant 16 : i32
      %mul3A_700 = arith.muli %select_n3A_698, %mul3A_699 : i32
      %multiple_of3A_701 = tpu.assume_multiple %mul3A_700, 16 : i32
      %add3A_702 = arith.constant 8 : i32
      %add3A_703 = arith.addi %multiple_of3A, %add3A_702 : i32
      %get3A_704 = arith.index_cast %add3A_703 : i32 to index
      %get3A_705 = arith.index_cast %multiple_of3A_701 : i32 to index
      %get3A_706 = tpu.vector_load %arg6[%get3A_704, %get3A_705] {strides = array<i32>} : memref<64x128xf32, #tpu.memory_space<vmem>>, vector<1x16xf32>,
      %get3A_707 = vector.shape_cast %get3A_706 : vector<1x16xf32> to vector<16xf32>
      %jit3A_708 = arith.constant 16 : i32
      %eq3A_709 = arith.constant 0 : i32
      %eq3A_710 = arith.cmpi eq, %jit3A_708, %eq3A_709 : i32
      %jit3A_711 = arith.constant 1 : i32
      %select_n3A_712 = arith.select %eq3A_710, %jit3A_711, %jit3A_708 : i32
      %rem3A_713 = arith.remsi %squeeze3A_658, %select_n3A_712 : i32
      %ne3A_714 = arith.constant 0 : i32
      %ne3A_715 = arith.cmpi ne, %rem3A_713, %ne3A_714 : i32
      %lt3A_716 = arith.constant 0 : i32
      %lt3A_717 = arith.cmpi slt, %rem3A_713, %lt3A_716 : i32
      %lt3A_718 = arith.constant 0 : i32
      %lt3A_719 = arith.cmpi slt, %select_n3A_712, %lt3A_718 : i32
      %ne3A_720 = arith.xori %lt3A_717, %lt3A_719 : i1
      %and3A_721 = arith.andi %ne3A_720, %ne3A_715 : i1
      %add3A_722 = arith.addi %rem3A_713, %select_n3A_712 : i32
      %select_n3A_723 = arith.select %and3A_721, %add3A_722, %rem3A_713 : i32
      %eq3A_724 = vector.broadcast %select_n3A_723 : i32 to vector<16xi32>
      %eq3A_725 = arith.cmpi eq, %iota3A, %eq3A_724 : vector<16xi32>
      %jit3A_726 = arith.constant 0.000000e+00 : f32
      %broadcast_in_dim3A_727 = vector.broadcast %jit3A_726 : f32 to vector<16xf32>
      %select_n3A_728 = arith.select %eq3A_725, %get3A_707, %broadcast_in_dim3A_727 : vector<16xi1>, vector<16xf32>
      %ne3A_729 = arith.constant 0 : i32
      %ne3A_730 = arith.cmpi ne, %squeeze3A_658, %ne3A_729 : i32
      %jit3A_731 = arith.constant 1.000000e+00 : f32
      %jit3A_732 = arith.constant 0.000000e+00 : f32
      %select_n3A_733 = arith.select %ne3A_730, %jit3A_731, %jit3A_732 : f32
      %mul3A_734 = vector.broadcast %select_n3A_733 : f32 to vector<16xf32>
      %mul3A_735 = arith.mulf %mul3A_734, %select_n3A_728 : vector<16xf32>
      %add3A_736 = arith.addf %add3A_656, %mul3A_735 : vector<16xf32>
      %slice3A_737 = vector.extract_strided_slice %get3A_28 {offsets = [9], sizes = [1], strides = [1]} : vector<16xi32> to vector<1xi32>
      %squeeze3A_738 = vector.extract %slice3A_737[0] : i32 from vector<1xi32>
      %jit3A_739 = arith.constant 128 : i32
      %eq3A_740 = arith.constant 0 : i32
      %eq3A_741 = arith.cmpi eq, %jit3A_739, %eq3A_740 : i32
      %jit3A_742 = arith.constant 1 : i32
      %select_n3A_743 = arith.select %eq3A_741, %jit3A_742, %jit3A_739 : i32
      %rem3A_744 = arith.remsi %squeeze3A_738, %select_n3A_743 : i32
      %ne3A_745 = arith.constant 0 : i32
      %ne3A_746 = arith.cmpi ne, %rem3A_744, %ne3A_745 : i32
      %lt3A_747 = arith.constant 0 : i32
      %lt3A_748 = arith.cmpi slt, %rem3A_744, %lt3A_747 : i32
      %lt3A_749 = arith.constant 0 : i32
      %lt3A_750 = arith.cmpi slt, %select_n3A_743, %lt3A_749 : i32
      %ne3A_751 = arith.xori %lt3A_748, %lt3A_750 : i1
      %and3A_752 = arith.andi %ne3A_751, %ne3A_746 : i1
      %add3A_753 = arith.addi %rem3A_744, %select_n3A_743 : i32
      %select_n3A_754 = arith.select %and3A_752, %add3A_753, %rem3A_744 : i32
      %jit3A_755 = arith.constant 16 : i32
      %div3A_756 = arith.divsi %select_n3A_754, %jit3A_755 : i32
      %sign3A_757 = arith.constant 0 : i32
      %sign3A_758 = arith.cmpi sgt, %select_n3A_754, %sign3A_757 : i32
      %sign3A_759 = arith.extui %sign3A_758 : i1 to i32
      %sign3A_760 = arith.constant 0 : i32
      %sign3A_761 = arith.cmpi slt, %select_n3A_754, %sign3A_760 : i32
      %sign3A_762 = arith.extui %sign3A_761 : i1 to i32
      %sign3A_763 = arith.subi %sign3A_759, %sign3A_762 : i32
      %sign3A_764 = arith.constant 0 : i32
      %sign3A_765 = arith.cmpi sgt, %jit3A_755, %sign3A_764 : i32
      %sign3A_766 = arith.extui %sign3A_765 : i1 to i32
      %sign3A_767 = arith.constant 0 : i32
      %sign3A_768 = arith.cmpi slt, %jit3A_755, %sign3A_767 : i32
      %sign3A_769 = arith.extui %sign3A_768 : i1 to i32
      %sign3A_770 = arith.subi %sign3A_766, %sign3A_769 : i32
      %ne3A_771 = arith.cmpi ne, %sign3A_763, %sign3A_770 : i32
      %rem3A_772 = arith.remsi %select_n3A_754, %jit3A_755 : i32
      %ne3A_773 = arith.constant 0 : i32
      %ne3A_774 = arith.cmpi ne, %rem3A_772, %ne3A_773 : i32
      %and3A_775 = arith.andi %ne3A_771, %ne3A_774 : i1
      %sub3A_776 = arith.constant 1 : i32
      %sub3A_777 = arith.subi %div3A_756, %sub3A_776 : i32
      %select_n3A_778 = arith.select %and3A_775, %sub3A_777, %div3A_756 : i32
      %mul3A_779 = arith.constant 16 : i32
      %mul3A_780 = arith.muli %select_n3A_778, %mul3A_779 : i32
      %multiple_of3A_781 = tpu.assume_multiple %mul3A_780, 16 : i32
      %add3A_782 = arith.constant 9 : i32
      %add3A_783 = arith.addi %multiple_of3A, %add3A_782 : i32
      %get3A_784 = arith.index_cast %add3A_783 : i32 to index
      %get3A_785 = arith.index_cast %multiple_of3A_781 : i32 to index
      %get3A_786 = tpu.vector_load %arg6[%get3A_784, %get3A_785] {strides = array<i32>} : memref<64x128xf32, #tpu.memory_space<vmem>>, vector<1x16xf32>,
      %get3A_787 = vector.shape_cast %get3A_786 : vector<1x16xf32> to vector<16xf32>
      %jit3A_788 = arith.constant 16 : i32
      %eq3A_789 = arith.constant 0 : i32
      %eq3A_790 = arith.cmpi eq, %jit3A_788, %eq3A_789 : i32
      %jit3A_791 = arith.constant 1 : i32
      %select_n3A_792 = arith.select %eq3A_790, %jit3A_791, %jit3A_788 : i32
      %rem3A_793 = arith.remsi %squeeze3A_738, %select_n3A_792 : i32
      %ne3A_794 = arith.constant 0 : i32
      %ne3A_795 = arith.cmpi ne, %rem3A_793, %ne3A_794 : i32
      %lt3A_796 = arith.constant 0 : i32
      %lt3A_797 = arith.cmpi slt, %rem3A_793, %lt3A_796 : i32
      %lt3A_798 = arith.constant 0 : i32
      %lt3A_799 = arith.cmpi slt, %select_n3A_792, %lt3A_798 : i32
      %ne3A_800 = arith.xori %lt3A_797, %lt3A_799 : i1
      %and3A_801 = arith.andi %ne3A_800, %ne3A_795 : i1
      %add3A_802 = arith.addi %rem3A_793, %select_n3A_792 : i32
      %select_n3A_803 = arith.select %and3A_801, %add3A_802, %rem3A_793 : i32
      %eq3A_804 = vector.broadcast %select_n3A_803 : i32 to vector<16xi32>
      %eq3A_805 = arith.cmpi eq, %iota3A, %eq3A_804 : vector<16xi32>
      %jit3A_806 = arith.constant 0.000000e+00 : f32
      %broadcast_in_dim3A_807 = vector.broadcast %jit3A_806 : f32 to vector<16xf32>
      %select_n3A_808 = arith.select %eq3A_805, %get3A_787, %broadcast_in_dim3A_807 : vector<16xi1>, vector<16xf32>
      %ne3A_809 = arith.constant 0 : i32
      %ne3A_810 = arith.cmpi ne, %squeeze3A_738, %ne3A_809 : i32
      %jit3A_811 = arith.constant 1.000000e+00 : f32
      %jit3A_812 = arith.constant 0.000000e+00 : f32
      %select_n3A_813 = arith.select %ne3A_810, %jit3A_811, %jit3A_812 : f32
      %mul3A_814 = vector.broadcast %select_n3A_813 : f32 to vector<16xf32>
      %mul3A_815 = arith.mulf %mul3A_814, %select_n3A_808 : vector<16xf32>
      %add3A_816 = arith.addf %add3A_736, %mul3A_815 : vector<16xf32>
      %slice3A_817 = vector.extract_strided_slice %get3A_28 {offsets = [10], sizes = [1], strides = [1]} : vector<16xi32> to vector<1xi32>
      %squeeze3A_818 = vector.extract %slice3A_817[0] : i32 from vector<1xi32>
      %jit3A_819 = arith.constant 128 : i32
      %eq3A_820 = arith.constant 0 : i32
      %eq3A_821 = arith.cmpi eq, %jit3A_819, %eq3A_820 : i32
      %jit3A_822 = arith.constant 1 : i32
      %select_n3A_823 = arith.select %eq3A_821, %jit3A_822, %jit3A_819 : i32
      %rem3A_824 = arith.remsi %squeeze3A_818, %select_n3A_823 : i32
      %ne3A_825 = arith.constant 0 : i32
      %ne3A_826 = arith.cmpi ne, %rem3A_824, %ne3A_825 : i32
      %lt3A_827 = arith.constant 0 : i32
      %lt3A_828 = arith.cmpi slt, %rem3A_824, %lt3A_827 : i32
      %lt3A_829 = arith.constant 0 : i32
      %lt3A_830 = arith.cmpi slt, %select_n3A_823, %lt3A_829 : i32
      %ne3A_831 = arith.xori %lt3A_828, %lt3A_830 : i1
      %and3A_832 = arith.andi %ne3A_831, %ne3A_826 : i1
      %add3A_833 = arith.addi %rem3A_824, %select_n3A_823 : i32
      %select_n3A_834 = arith.select %and3A_832, %add3A_833, %rem3A_824 : i32
      %jit3A_835 = arith.constant 16 : i32
      %div3A_836 = arith.divsi %select_n3A_834, %jit3A_835 : i32
      %sign3A_837 = arith.constant 0 : i32
      %sign3A_838 = arith.cmpi sgt, %select_n3A_834, %sign3A_837 : i32
      %sign3A_839 = arith.extui %sign3A_838 : i1 to i32
      %sign3A_840 = arith.constant 0 : i32
      %sign3A_841 = arith.cmpi slt, %select_n3A_834, %sign3A_840 : i32
      %sign3A_842 = arith.extui %sign3A_841 : i1 to i32
      %sign3A_843 = arith.subi %sign3A_839, %sign3A_842 : i32
      %sign3A_844 = arith.constant 0 : i32
      %sign3A_845 = arith.cmpi sgt, %jit3A_835, %sign3A_844 : i32
      %sign3A_846 = arith.extui %sign3A_845 : i1 to i32
      %sign3A_847 = arith.constant 0 : i32
      %sign3A_848 = arith.cmpi slt, %jit3A_835, %sign3A_847 : i32
      %sign3A_849 = arith.extui %sign3A_848 : i1 to i32
      %sign3A_850 = arith.subi %sign3A_846, %sign3A_849 : i32
      %ne3A_851 = arith.cmpi ne, %sign3A_843, %sign3A_850 : i32
      %rem3A_852 = arith.remsi %select_n3A_834, %jit3A_835 : i32
      %ne3A_853 = arith.constant 0 : i32
      %ne3A_854 = arith.cmpi ne, %rem3A_852, %ne3A_853 : i32
      %and3A_855 = arith.andi %ne3A_851, %ne3A_854 : i1
      %sub3A_856 = arith.constant 1 : i32
      %sub3A_857 = arith.subi %div3A_836, %sub3A_856 : i32
      %select_n3A_858 = arith.select %and3A_855, %sub3A_857, %div3A_836 : i32
      %mul3A_859 = arith.constant 16 : i32
      %mul3A_860 = arith.muli %select_n3A_858, %mul3A_859 : i32
      %multiple_of3A_861 = tpu.assume_multiple %mul3A_860, 16 : i32
      %add3A_862 = arith.constant 10 : i32
      %add3A_863 = arith.addi %multiple_of3A, %add3A_862 : i32
      %get3A_864 = arith.index_cast %add3A_863 : i32 to index
      %get3A_865 = arith.index_cast %multiple_of3A_861 : i32 to index
      %get3A_866 = tpu.vector_load %arg6[%get3A_864, %get3A_865] {strides = array<i32>} : memref<64x128xf32, #tpu.memory_space<vmem>>, vector<1x16xf32>,
      %get3A_867 = vector.shape_cast %get3A_866 : vector<1x16xf32> to vector<16xf32>
      %jit3A_868 = arith.constant 16 : i32
      %eq3A_869 = arith.constant 0 : i32
      %eq3A_870 = arith.cmpi eq, %jit3A_868, %eq3A_869 : i32
      %jit3A_871 = arith.constant 1 : i32
      %select_n3A_872 = arith.select %eq3A_870, %jit3A_871, %jit3A_868 : i32
      %rem3A_873 = arith.remsi %squeeze3A_818, %select_n3A_872 : i32
      %ne3A_874 = arith.constant 0 : i32
      %ne3A_875 = arith.cmpi ne, %rem3A_873, %ne3A_874 : i32
      %lt3A_876 = arith.constant 0 : i32
      %lt3A_877 = arith.cmpi slt, %rem3A_873, %lt3A_876 : i32
      %lt3A_878 = arith.constant 0 : i32
      %lt3A_879 = arith.cmpi slt, %select_n3A_872, %lt3A_878 : i32
      %ne3A_880 = arith.xori %lt3A_877, %lt3A_879 : i1
      %and3A_881 = arith.andi %ne3A_880, %ne3A_875 : i1
      %add3A_882 = arith.addi %rem3A_873, %select_n3A_872 : i32
      %select_n3A_883 = arith.select %and3A_881, %add3A_882, %rem3A_873 : i32
      %eq3A_884 = vector.broadcast %select_n3A_883 : i32 to vector<16xi32>
      %eq3A_885 = arith.cmpi eq, %iota3A, %eq3A_884 : vector<16xi32>
      %jit3A_886 = arith.constant 0.000000e+00 : f32
      %broadcast_in_dim3A_887 = vector.broadcast %jit3A_886 : f32 to vector<16xf32>
      %select_n3A_888 = arith.select %eq3A_885, %get3A_867, %broadcast_in_dim3A_887 : vector<16xi1>, vector<16xf32>
      %ne3A_889 = arith.constant 0 : i32
      %ne3A_890 = arith.cmpi ne, %squeeze3A_818, %ne3A_889 : i32
      %jit3A_891 = arith.constant 1.000000e+00 : f32
      %jit3A_892 = arith.constant 0.000000e+00 : f32
      %select_n3A_893 = arith.select %ne3A_890, %jit3A_891, %jit3A_892 : f32
      %mul3A_894 = vector.broadcast %select_n3A_893 : f32 to vector<16xf32>
      %mul3A_895 = arith.mulf %mul3A_894, %select_n3A_888 : vector<16xf32>
      %add3A_896 = arith.addf %add3A_816, %mul3A_895 : vector<16xf32>
      %slice3A_897 = vector.extract_strided_slice %get3A_28 {offsets = [11], sizes = [1], strides = [1]} : vector<16xi32> to vector<1xi32>
      %squeeze3A_898 = vector.extract %slice3A_897[0] : i32 from vector<1xi32>
      %jit3A_899 = arith.constant 128 : i32
      %eq3A_900 = arith.constant 0 : i32
      %eq3A_901 = arith.cmpi eq, %jit3A_899, %eq3A_900 : i32
      %jit3A_902 = arith.constant 1 : i32
      %select_n3A_903 = arith.select %eq3A_901, %jit3A_902, %jit3A_899 : i32
      %rem3A_904 = arith.remsi %squeeze3A_898, %select_n3A_903 : i32
      %ne3A_905 = arith.constant 0 : i32
      %ne3A_906 = arith.cmpi ne, %rem3A_904, %ne3A_905 : i32
      %lt3A_907 = arith.constant 0 : i32
      %lt3A_908 = arith.cmpi slt, %rem3A_904, %lt3A_907 : i32
      %lt3A_909 = arith.constant 0 : i32
      %lt3A_910 = arith.cmpi slt, %select_n3A_903, %lt3A_909 : i32
      %ne3A_911 = arith.xori %lt3A_908, %lt3A_910 : i1
      %and3A_912 = arith.andi %ne3A_911, %ne3A_906 : i1
      %add3A_913 = arith.addi %rem3A_904, %select_n3A_903 : i32
      %select_n3A_914 = arith.select %and3A_912, %add3A_913, %rem3A_904 : i32
      %jit3A_915 = arith.constant 16 : i32
      %div3A_916 = arith.divsi %select_n3A_914, %jit3A_915 : i32
      %sign3A_917 = arith.constant 0 : i32
      %sign3A_918 = arith.cmpi sgt, %select_n3A_914, %sign3A_917 : i32
      %sign3A_919 = arith.extui %sign3A_918 : i1 to i32
      %sign3A_920 = arith.constant 0 : i32
      %sign3A_921 = arith.cmpi slt, %select_n3A_914, %sign3A_920 : i32
      %sign3A_922 = arith.extui %sign3A_921 : i1 to i32
      %sign3A_923 = arith.subi %sign3A_919, %sign3A_922 : i32
      %sign3A_924 = arith.constant 0 : i32
      %sign3A_925 = arith.cmpi sgt, %jit3A_915, %sign3A_924 : i32
      %sign3A_926 = arith.extui %sign3A_925 : i1 to i32
      %sign3A_927 = arith.constant 0 : i32
      %sign3A_928 = arith.cmpi slt, %jit3A_915, %sign3A_927 : i32
      %sign3A_929 = arith.extui %sign3A_928 : i1 to i32
      %sign3A_930 = arith.subi %sign3A_926, %sign3A_929 : i32
      %ne3A_931 = arith.cmpi ne, %sign3A_923, %sign3A_930 : i32
      %rem3A_932 = arith.remsi %select_n3A_914, %jit3A_915 : i32
      %ne3A_933 = arith.constant 0 : i32
      %ne3A_934 = arith.cmpi ne, %rem3A_932, %ne3A_933 : i32
      %and3A_935 = arith.andi %ne3A_931, %ne3A_934 : i1
      %sub3A_936 = arith.constant 1 : i32
      %sub3A_937 = arith.subi %div3A_916, %sub3A_936 : i32
      %select_n3A_938 = arith.select %and3A_935, %sub3A_937, %div3A_916 : i32
      %mul3A_939 = arith.constant 16 : i32
      %mul3A_940 = arith.muli %select_n3A_938, %mul3A_939 : i32
      %multiple_of3A_941 = tpu.assume_multiple %mul3A_940, 16 : i32
      %add3A_942 = arith.constant 11 : i32
      %add3A_943 = arith.addi %multiple_of3A, %add3A_942 : i32
      %get3A_944 = arith.index_cast %add3A_943 : i32 to index
      %get3A_945 = arith.index_cast %multiple_of3A_941 : i32 to index
      %get3A_946 = tpu.vector_load %arg6[%get3A_944, %get3A_945] {strides = array<i32>} : memref<64x128xf32, #tpu.memory_space<vmem>>, vector<1x16xf32>,
      %get3A_947 = vector.shape_cast %get3A_946 : vector<1x16xf32> to vector<16xf32>
      %jit3A_948 = arith.constant 16 : i32
      %eq3A_949 = arith.constant 0 : i32
      %eq3A_950 = arith.cmpi eq, %jit3A_948, %eq3A_949 : i32
      %jit3A_951 = arith.constant 1 : i32
      %select_n3A_952 = arith.select %eq3A_950, %jit3A_951, %jit3A_948 : i32
      %rem3A_953 = arith.remsi %squeeze3A_898, %select_n3A_952 : i32
      %ne3A_954 = arith.constant 0 : i32
      %ne3A_955 = arith.cmpi ne, %rem3A_953, %ne3A_954 : i32
      %lt3A_956 = arith.constant 0 : i32
      %lt3A_957 = arith.cmpi slt, %rem3A_953, %lt3A_956 : i32
      %lt3A_958 = arith.constant 0 : i32
      %lt3A_959 = arith.cmpi slt, %select_n3A_952, %lt3A_958 : i32
      %ne3A_960 = arith.xori %lt3A_957, %lt3A_959 : i1
      %and3A_961 = arith.andi %ne3A_960, %ne3A_955 : i1
      %add3A_962 = arith.addi %rem3A_953, %select_n3A_952 : i32
      %select_n3A_963 = arith.select %and3A_961, %add3A_962, %rem3A_953 : i32
      %eq3A_964 = vector.broadcast %select_n3A_963 : i32 to vector<16xi32>
      %eq3A_965 = arith.cmpi eq, %iota3A, %eq3A_964 : vector<16xi32>
      %jit3A_966 = arith.constant 0.000000e+00 : f32
      %broadcast_in_dim3A_967 = vector.broadcast %jit3A_966 : f32 to vector<16xf32>
      %select_n3A_968 = arith.select %eq3A_965, %get3A_947, %broadcast_in_dim3A_967 : vector<16xi1>, vector<16xf32>
      %ne3A_969 = arith.constant 0 : i32
      %ne3A_970 = arith.cmpi ne, %squeeze3A_898, %ne3A_969 : i32
      %jit3A_971 = arith.constant 1.000000e+00 : f32
      %jit3A_972 = arith.constant 0.000000e+00 : f32
      %select_n3A_973 = arith.select %ne3A_970, %jit3A_971, %jit3A_972 : f32
      %mul3A_974 = vector.broadcast %select_n3A_973 : f32 to vector<16xf32>
      %mul3A_975 = arith.mulf %mul3A_974, %select_n3A_968 : vector<16xf32>
      %add3A_976 = arith.addf %add3A_896, %mul3A_975 : vector<16xf32>
      %slice3A_977 = vector.extract_strided_slice %get3A_28 {offsets = [12], sizes = [1], strides = [1]} : vector<16xi32> to vector<1xi32>
      %squeeze3A_978 = vector.extract %slice3A_977[0] : i32 from vector<1xi32>
      %jit3A_979 = arith.constant 128 : i32
      %eq3A_980 = arith.constant 0 : i32
      %eq3A_981 = arith.cmpi eq, %jit3A_979, %eq3A_980 : i32
      %jit3A_982 = arith.constant 1 : i32
      %select_n3A_983 = arith.select %eq3A_981, %jit3A_982, %jit3A_979 : i32
      %rem3A_984 = arith.remsi %squeeze3A_978, %select_n3A_983 : i32
      %ne3A_985 = arith.constant 0 : i32
      %ne3A_986 = arith.cmpi ne, %rem3A_984, %ne3A_985 : i32
      %lt3A_987 = arith.constant 0 : i32
      %lt3A_988 = arith.cmpi slt, %rem3A_984, %lt3A_987 : i32
      %lt3A_989 = arith.constant 0 : i32
      %lt3A_990 = arith.cmpi slt, %select_n3A_983, %lt3A_989 : i32
      %ne3A_991 = arith.xori %lt3A_988, %lt3A_990 : i1
      %and3A_992 = arith.andi %ne3A_991, %ne3A_986 : i1
      %add3A_993 = arith.addi %rem3A_984, %select_n3A_983 : i32
      %select_n3A_994 = arith.select %and3A_992, %add3A_993, %rem3A_984 : i32
      %jit3A_995 = arith.constant 16 : i32
      %div3A_996 = arith.divsi %select_n3A_994, %jit3A_995 : i32
      %sign3A_997 = arith.constant 0 : i32
      %sign3A_998 = arith.cmpi sgt, %select_n3A_994, %sign3A_997 : i32
      %sign3A_999 = arith.extui %sign3A_998 : i1 to i32
      %sign3A_1000 = arith.constant 0 : i32
      %sign3A_1001 = arith.cmpi slt, %select_n3A_994, %sign3A_1000 : i32
      %sign3A_1002 = arith.extui %sign3A_1001 : i1 to i32
      %sign3A_1003 = arith.subi %sign3A_999, %sign3A_1002 : i32
      %sign3A_1004 = arith.constant 0 : i32
      %sign3A_1005 = arith.cmpi sgt, %jit3A_995, %sign3A_1004 : i32
      %sign3A_1006 = arith.extui %sign3A_1005 : i1 to i32
      %sign3A_1007 = arith.constant 0 : i32
      %sign3A_1008 = arith.cmpi slt, %jit3A_995, %sign3A_1007 : i32
      %sign3A_1009 = arith.extui %sign3A_1008 : i1 to i32
      %sign3A_1010 = arith.subi %sign3A_1006, %sign3A_1009 : i32
      %ne3A_1011 = arith.cmpi ne, %sign3A_1003, %sign3A_1010 : i32
      %rem3A_1012 = arith.remsi %select_n3A_994, %jit3A_995 : i32
      %ne3A_1013 = arith.constant 0 : i32
      %ne3A_1014 = arith.cmpi ne, %rem3A_1012, %ne3A_1013 : i32
      %and3A_1015 = arith.andi %ne3A_1011, %ne3A_1014 : i1
      %sub3A_1016 = arith.constant 1 : i32
      %sub3A_1017 = arith.subi %div3A_996, %sub3A_1016 : i32
      %select_n3A_1018 = arith.select %and3A_1015, %sub3A_1017, %div3A_996 : i32
      %mul3A_1019 = arith.constant 16 : i32
      %mul3A_1020 = arith.muli %select_n3A_1018, %mul3A_1019 : i32
      %multiple_of3A_1021 = tpu.assume_multiple %mul3A_1020, 16 : i32
      %add3A_1022 = arith.constant 12 : i32
      %add3A_1023 = arith.addi %multiple_of3A, %add3A_1022 : i32
      %get3A_1024 = arith.index_cast %add3A_1023 : i32 to index
      %get3A_1025 = arith.index_cast %multiple_of3A_1021 : i32 to index
      %get3A_1026 = tpu.vector_load %arg6[%get3A_1024, %get3A_1025] {strides = array<i32>} : memref<64x128xf32, #tpu.memory_space<vmem>>, vector<1x16xf32>,
      %get3A_1027 = vector.shape_cast %get3A_1026 : vector<1x16xf32> to vector<16xf32>
      %jit3A_1028 = arith.constant 16 : i32
      %eq3A_1029 = arith.constant 0 : i32
      %eq3A_1030 = arith.cmpi eq, %jit3A_1028, %eq3A_1029 : i32
      %jit3A_1031 = arith.constant 1 : i32
      %select_n3A_1032 = arith.select %eq3A_1030, %jit3A_1031, %jit3A_1028 : i32
      %rem3A_1033 = arith.remsi %squeeze3A_978, %select_n3A_1032 : i32
      %ne3A_1034 = arith.constant 0 : i32
      %ne3A_1035 = arith.cmpi ne, %rem3A_1033, %ne3A_1034 : i32
      %lt3A_1036 = arith.constant 0 : i32
      %lt3A_1037 = arith.cmpi slt, %rem3A_1033, %lt3A_1036 : i32
      %lt3A_1038 = arith.constant 0 : i32
      %lt3A_1039 = arith.cmpi slt, %select_n3A_1032, %lt3A_1038 : i32
      %ne3A_1040 = arith.xori %lt3A_1037, %lt3A_1039 : i1
      %and3A_1041 = arith.andi %ne3A_1040, %ne3A_1035 : i1
      %add3A_1042 = arith.addi %rem3A_1033, %select_n3A_1032 : i32
      %select_n3A_1043 = arith.select %and3A_1041, %add3A_1042, %rem3A_1033 : i32
      %eq3A_1044 = vector.broadcast %select_n3A_1043 : i32 to vector<16xi32>
      %eq3A_1045 = arith.cmpi eq, %iota3A, %eq3A_1044 : vector<16xi32>
      %jit3A_1046 = arith.constant 0.000000e+00 : f32
      %broadcast_in_dim3A_1047 = vector.broadcast %jit3A_1046 : f32 to vector<16xf32>
      %select_n3A_1048 = arith.select %eq3A_1045, %get3A_1027, %broadcast_in_dim3A_1047 : vector<16xi1>, vector<16xf32>
      %ne3A_1049 = arith.constant 0 : i32
      %ne3A_1050 = arith.cmpi ne, %squeeze3A_978, %ne3A_1049 : i32
      %jit3A_1051 = arith.constant 1.000000e+00 : f32
      %jit3A_1052 = arith.constant 0.000000e+00 : f32
      %select_n3A_1053 = arith.select %ne3A_1050, %jit3A_1051, %jit3A_1052 : f32
      %mul3A_1054 = vector.broadcast %select_n3A_1053 : f32 to vector<16xf32>
      %mul3A_1055 = arith.mulf %mul3A_1054, %select_n3A_1048 : vector<16xf32>
      %add3A_1056 = arith.addf %add3A_976, %mul3A_1055 : vector<16xf32>
      %slice3A_1057 = vector.extract_strided_slice %get3A_28 {offsets = [13], sizes = [1], strides = [1]} : vector<16xi32> to vector<1xi32>
      %squeeze3A_1058 = vector.extract %slice3A_1057[0] : i32 from vector<1xi32>
      %jit3A_1059 = arith.constant 128 : i32
      %eq3A_1060 = arith.constant 0 : i32
      %eq3A_1061 = arith.cmpi eq, %jit3A_1059, %eq3A_1060 : i32
      %jit3A_1062 = arith.constant 1 : i32
      %select_n3A_1063 = arith.select %eq3A_1061, %jit3A_1062, %jit3A_1059 : i32
      %rem3A_1064 = arith.remsi %squeeze3A_1058, %select_n3A_1063 : i32
      %ne3A_1065 = arith.constant 0 : i32
      %ne3A_1066 = arith.cmpi ne, %rem3A_1064, %ne3A_1065 : i32
      %lt3A_1067 = arith.constant 0 : i32
      %lt3A_1068 = arith.cmpi slt, %rem3A_1064, %lt3A_1067 : i32
      %lt3A_1069 = arith.constant 0 : i32
      %lt3A_1070 = arith.cmpi slt, %select_n3A_1063, %lt3A_1069 : i32
      %ne3A_1071 = arith.xori %lt3A_1068, %lt3A_1070 : i1
      %and3A_1072 = arith.andi %ne3A_1071, %ne3A_1066 : i1
      %add3A_1073 = arith.addi %rem3A_1064, %select_n3A_1063 : i32
      %select_n3A_1074 = arith.select %and3A_1072, %add3A_1073, %rem3A_1064 : i32
      %jit3A_1075 = arith.constant 16 : i32
      %div3A_1076 = arith.divsi %select_n3A_1074, %jit3A_1075 : i32
      %sign3A_1077 = arith.constant 0 : i32
      %sign3A_1078 = arith.cmpi sgt, %select_n3A_1074, %sign3A_1077 : i32
      %sign3A_1079 = arith.extui %sign3A_1078 : i1 to i32
      %sign3A_1080 = arith.constant 0 : i32
      %sign3A_1081 = arith.cmpi slt, %select_n3A_1074, %sign3A_1080 : i32
      %sign3A_1082 = arith.extui %sign3A_1081 : i1 to i32
      %sign3A_1083 = arith.subi %sign3A_1079, %sign3A_1082 : i32
      %sign3A_1084 = arith.constant 0 : i32
      %sign3A_1085 = arith.cmpi sgt, %jit3A_1075, %sign3A_1084 : i32
      %sign3A_1086 = arith.extui %sign3A_1085 : i1 to i32
      %sign3A_1087 = arith.constant 0 : i32
      %sign3A_1088 = arith.cmpi slt, %jit3A_1075, %sign3A_1087 : i32
      %sign3A_1089 = arith.extui %sign3A_1088 : i1 to i32
      %sign3A_1090 = arith.subi %sign3A_1086, %sign3A_1089 : i32
      %ne3A_1091 = arith.cmpi ne, %sign3A_1083, %sign3A_1090 : i32
      %rem3A_1092 = arith.remsi %select_n3A_1074, %jit3A_1075 : i32
      %ne3A_1093 = arith.constant 0 : i32
      %ne3A_1094 = arith.cmpi ne, %rem3A_1092, %ne3A_1093 : i32
      %and3A_1095 = arith.andi %ne3A_1091, %ne3A_1094 : i1
      %sub3A_1096 = arith.constant 1 : i32
      %sub3A_1097 = arith.subi %div3A_1076, %sub3A_1096 : i32
      %select_n3A_1098 = arith.select %and3A_1095, %sub3A_1097, %div3A_1076 : i32
      %mul3A_1099 = arith.constant 16 : i32
      %mul3A_1100 = arith.muli %select_n3A_1098, %mul3A_1099 : i32
      %multiple_of3A_1101 = tpu.assume_multiple %mul3A_1100, 16 : i32
      %add3A_1102 = arith.constant 13 : i32
      %add3A_1103 = arith.addi %multiple_of3A, %add3A_1102 : i32
      %get3A_1104 = arith.index_cast %add3A_1103 : i32 to index
      %get3A_1105 = arith.index_cast %multiple_of3A_1101 : i32 to index
      %get3A_1106 = tpu.vector_load %arg6[%get3A_1104, %get3A_1105] {strides = array<i32>} : memref<64x128xf32, #tpu.memory_space<vmem>>, vector<1x16xf32>,
      %get3A_1107 = vector.shape_cast %get3A_1106 : vector<1x16xf32> to vector<16xf32>
      %jit3A_1108 = arith.constant 16 : i32
      %eq3A_1109 = arith.constant 0 : i32
      %eq3A_1110 = arith.cmpi eq, %jit3A_1108, %eq3A_1109 : i32
      %jit3A_1111 = arith.constant 1 : i32
      %select_n3A_1112 = arith.select %eq3A_1110, %jit3A_1111, %jit3A_1108 : i32
      %rem3A_1113 = arith.remsi %squeeze3A_1058, %select_n3A_1112 : i32
      %ne3A_1114 = arith.constant 0 : i32
      %ne3A_1115 = arith.cmpi ne, %rem3A_1113, %ne3A_1114 : i32
      %lt3A_1116 = arith.constant 0 : i32
      %lt3A_1117 = arith.cmpi slt, %rem3A_1113, %lt3A_1116 : i32
      %lt3A_1118 = arith.constant 0 : i32
      %lt3A_1119 = arith.cmpi slt, %select_n3A_1112, %lt3A_1118 : i32
      %ne3A_1120 = arith.xori %lt3A_1117, %lt3A_1119 : i1
      %and3A_1121 = arith.andi %ne3A_1120, %ne3A_1115 : i1
      %add3A_1122 = arith.addi %rem3A_1113, %select_n3A_1112 : i32
      %select_n3A_1123 = arith.select %and3A_1121, %add3A_1122, %rem3A_1113 : i32
      %eq3A_1124 = vector.broadcast %select_n3A_1123 : i32 to vector<16xi32>
      %eq3A_1125 = arith.cmpi eq, %iota3A, %eq3A_1124 : vector<16xi32>
      %jit3A_1126 = arith.constant 0.000000e+00 : f32
      %broadcast_in_dim3A_1127 = vector.broadcast %jit3A_1126 : f32 to vector<16xf32>
      %select_n3A_1128 = arith.select %eq3A_1125, %get3A_1107, %broadcast_in_dim3A_1127 : vector<16xi1>, vector<16xf32>
      %ne3A_1129 = arith.constant 0 : i32
      %ne3A_1130 = arith.cmpi ne, %squeeze3A_1058, %ne3A_1129 : i32
      %jit3A_1131 = arith.constant 1.000000e+00 : f32
      %jit3A_1132 = arith.constant 0.000000e+00 : f32
      %select_n3A_1133 = arith.select %ne3A_1130, %jit3A_1131, %jit3A_1132 : f32
      %mul3A_1134 = vector.broadcast %select_n3A_1133 : f32 to vector<16xf32>
      %mul3A_1135 = arith.mulf %mul3A_1134, %select_n3A_1128 : vector<16xf32>
      %add3A_1136 = arith.addf %add3A_1056, %mul3A_1135 : vector<16xf32>
      %slice3A_1137 = vector.extract_strided_slice %get3A_28 {offsets = [14], sizes = [1], strides = [1]} : vector<16xi32> to vector<1xi32>
      %squeeze3A_1138 = vector.extract %slice3A_1137[0] : i32 from vector<1xi32>
      %jit3A_1139 = arith.constant 128 : i32
      %eq3A_1140 = arith.constant 0 : i32
      %eq3A_1141 = arith.cmpi eq, %jit3A_1139, %eq3A_1140 : i32
      %jit3A_1142 = arith.constant 1 : i32
      %select_n3A_1143 = arith.select %eq3A_1141, %jit3A_1142, %jit3A_1139 : i32
      %rem3A_1144 = arith.remsi %squeeze3A_1138, %select_n3A_1143 : i32
      %ne3A_1145 = arith.constant 0 : i32
      %ne3A_1146 = arith.cmpi ne, %rem3A_1144, %ne3A_1145 : i32
      %lt3A_1147 = arith.constant 0 : i32
      %lt3A_1148 = arith.cmpi slt, %rem3A_1144, %lt3A_1147 : i32
      %lt3A_1149 = arith.constant 0 : i32
      %lt3A_1150 = arith.cmpi slt, %select_n3A_1143, %lt3A_1149 : i32
      %ne3A_1151 = arith.xori %lt3A_1148, %lt3A_1150 : i1
      %and3A_1152 = arith.andi %ne3A_1151, %ne3A_1146 : i1
      %add3A_1153 = arith.addi %rem3A_1144, %select_n3A_1143 : i32
      %select_n3A_1154 = arith.select %and3A_1152, %add3A_1153, %rem3A_1144 : i32
      %jit3A_1155 = arith.constant 16 : i32
      %div3A_1156 = arith.divsi %select_n3A_1154, %jit3A_1155 : i32
      %sign3A_1157 = arith.constant 0 : i32
      %sign3A_1158 = arith.cmpi sgt, %select_n3A_1154, %sign3A_1157 : i32
      %sign3A_1159 = arith.extui %sign3A_1158 : i1 to i32
      %sign3A_1160 = arith.constant 0 : i32
      %sign3A_1161 = arith.cmpi slt, %select_n3A_1154, %sign3A_1160 : i32
      %sign3A_1162 = arith.extui %sign3A_1161 : i1 to i32
      %sign3A_1163 = arith.subi %sign3A_1159, %sign3A_1162 : i32
      %sign3A_1164 = arith.constant 0 : i32
      %sign3A_1165 = arith.cmpi sgt, %jit3A_1155, %sign3A_1164 : i32
      %sign3A_1166 = arith.extui %sign3A_1165 : i1 to i32
      %sign3A_1167 = arith.constant 0 : i32
      %sign3A_1168 = arith.cmpi slt, %jit3A_1155, %sign3A_1167 : i32
      %sign3A_1169 = arith.extui %sign3A_1168 : i1 to i32
      %sign3A_1170 = arith.subi %sign3A_1166, %sign3A_1169 : i32
      %ne3A_1171 = arith.cmpi ne, %sign3A_1163, %sign3A_1170 : i32
      %rem3A_1172 = arith.remsi %select_n3A_1154, %jit3A_1155 : i32
      %ne3A_1173 = arith.constant 0 : i32
      %ne3A_1174 = arith.cmpi ne, %rem3A_1172, %ne3A_1173 : i32
      %and3A_1175 = arith.andi %ne3A_1171, %ne3A_1174 : i1
      %sub3A_1176 = arith.constant 1 : i32
      %sub3A_1177 = arith.subi %div3A_1156, %sub3A_1176 : i32
      %select_n3A_1178 = arith.select %and3A_1175, %sub3A_1177, %div3A_1156 : i32
      %mul3A_1179 = arith.constant 16 : i32
      %mul3A_1180 = arith.muli %select_n3A_1178, %mul3A_1179 : i32
      %multiple_of3A_1181 = tpu.assume_multiple %mul3A_1180, 16 : i32
      %add3A_1182 = arith.constant 14 : i32
      %add3A_1183 = arith.addi %multiple_of3A, %add3A_1182 : i32
      %get3A_1184 = arith.index_cast %add3A_1183 : i32 to index
      %get3A_1185 = arith.index_cast %multiple_of3A_1181 : i32 to index
      %get3A_1186 = tpu.vector_load %arg6[%get3A_1184, %get3A_1185] {strides = array<i32>} : memref<64x128xf32, #tpu.memory_space<vmem>>, vector<1x16xf32>,
      %get3A_1187 = vector.shape_cast %get3A_1186 : vector<1x16xf32> to vector<16xf32>
      %jit3A_1188 = arith.constant 16 : i32
      %eq3A_1189 = arith.constant 0 : i32
      %eq3A_1190 = arith.cmpi eq, %jit3A_1188, %eq3A_1189 : i32
      %jit3A_1191 = arith.constant 1 : i32
      %select_n3A_1192 = arith.select %eq3A_1190, %jit3A_1191, %jit3A_1188 : i32
      %rem3A_1193 = arith.remsi %squeeze3A_1138, %select_n3A_1192 : i32
      %ne3A_1194 = arith.constant 0 : i32
      %ne3A_1195 = arith.cmpi ne, %rem3A_1193, %ne3A_1194 : i32
      %lt3A_1196 = arith.constant 0 : i32
      %lt3A_1197 = arith.cmpi slt, %rem3A_1193, %lt3A_1196 : i32
      %lt3A_1198 = arith.constant 0 : i32
      %lt3A_1199 = arith.cmpi slt, %select_n3A_1192, %lt3A_1198 : i32
      %ne3A_1200 = arith.xori %lt3A_1197, %lt3A_1199 : i1
      %and3A_1201 = arith.andi %ne3A_1200, %ne3A_1195 : i1
      %add3A_1202 = arith.addi %rem3A_1193, %select_n3A_1192 : i32
      %select_n3A_1203 = arith.select %and3A_1201, %add3A_1202, %rem3A_1193 : i32
      %eq3A_1204 = vector.broadcast %select_n3A_1203 : i32 to vector<16xi32>
      %eq3A_1205 = arith.cmpi eq, %iota3A, %eq3A_1204 : vector<16xi32>
      %jit3A_1206 = arith.constant 0.000000e+00 : f32
      %broadcast_in_dim3A_1207 = vector.broadcast %jit3A_1206 : f32 to vector<16xf32>
      %select_n3A_1208 = arith.select %eq3A_1205, %get3A_1187, %broadcast_in_dim3A_1207 : vector<16xi1>, vector<16xf32>
      %ne3A_1209 = arith.constant 0 : i32
      %ne3A_1210 = arith.cmpi ne, %squeeze3A_1138, %ne3A_1209 : i32
      %jit3A_1211 = arith.constant 1.000000e+00 : f32
      %jit3A_1212 = arith.constant 0.000000e+00 : f32
      %select_n3A_1213 = arith.select %ne3A_1210, %jit3A_1211, %jit3A_1212 : f32
      %mul3A_1214 = vector.broadcast %select_n3A_1213 : f32 to vector<16xf32>
      %mul3A_1215 = arith.mulf %mul3A_1214, %select_n3A_1208 : vector<16xf32>
      %add3A_1216 = arith.addf %add3A_1136, %mul3A_1215 : vector<16xf32>
      %slice3A_1217 = vector.extract_strided_slice %get3A_28 {offsets = [15], sizes = [1], strides = [1]} : vector<16xi32> to vector<1xi32>
      %squeeze3A_1218 = vector.extract %slice3A_1217[0] : i32 from vector<1xi32>
      %jit3A_1219 = arith.constant 128 : i32
      %eq3A_1220 = arith.constant 0 : i32
      %eq3A_1221 = arith.cmpi eq, %jit3A_1219, %eq3A_1220 : i32
      %jit3A_1222 = arith.constant 1 : i32
      %select_n3A_1223 = arith.select %eq3A_1221, %jit3A_1222, %jit3A_1219 : i32
      %rem3A_1224 = arith.remsi %squeeze3A_1218, %select_n3A_1223 : i32
      %ne3A_1225 = arith.constant 0 : i32
      %ne3A_1226 = arith.cmpi ne, %rem3A_1224, %ne3A_1225 : i32
      %lt3A_1227 = arith.constant 0 : i32
      %lt3A_1228 = arith.cmpi slt, %rem3A_1224, %lt3A_1227 : i32
      %lt3A_1229 = arith.constant 0 : i32
      %lt3A_1230 = arith.cmpi slt, %select_n3A_1223, %lt3A_1229 : i32
      %ne3A_1231 = arith.xori %lt3A_1228, %lt3A_1230 : i1
      %and3A_1232 = arith.andi %ne3A_1231, %ne3A_1226 : i1
      %add3A_1233 = arith.addi %rem3A_1224, %select_n3A_1223 : i32
      %select_n3A_1234 = arith.select %and3A_1232, %add3A_1233, %rem3A_1224 : i32
      %jit3A_1235 = arith.constant 16 : i32
      %div3A_1236 = arith.divsi %select_n3A_1234, %jit3A_1235 : i32
      %sign3A_1237 = arith.constant 0 : i32
      %sign3A_1238 = arith.cmpi sgt, %select_n3A_1234, %sign3A_1237 : i32
      %sign3A_1239 = arith.extui %sign3A_1238 : i1 to i32
      %sign3A_1240 = arith.constant 0 : i32
      %sign3A_1241 = arith.cmpi slt, %select_n3A_1234, %sign3A_1240 : i32
      %sign3A_1242 = arith.extui %sign3A_1241 : i1 to i32
      %sign3A_1243 = arith.subi %sign3A_1239, %sign3A_1242 : i32
      %sign3A_1244 = arith.constant 0 : i32
      %sign3A_1245 = arith.cmpi sgt, %jit3A_1235, %sign3A_1244 : i32
      %sign3A_1246 = arith.extui %sign3A_1245 : i1 to i32
      %sign3A_1247 = arith.constant 0 : i32
      %sign3A_1248 = arith.cmpi slt, %jit3A_1235, %sign3A_1247 : i32
      %sign3A_1249 = arith.extui %sign3A_1248 : i1 to i32
      %sign3A_1250 = arith.subi %sign3A_1246, %sign3A_1249 : i32
      %ne3A_1251 = arith.cmpi ne, %sign3A_1243, %sign3A_1250 : i32
      %rem3A_1252 = arith.remsi %select_n3A_1234, %jit3A_1235 : i32
      %ne3A_1253 = arith.constant 0 : i32
      %ne3A_1254 = arith.cmpi ne, %rem3A_1252, %ne3A_1253 : i32
      %and3A_1255 = arith.andi %ne3A_1251, %ne3A_1254 : i1
      %sub3A_1256 = arith.constant 1 : i32
      %sub3A_1257 = arith.subi %div3A_1236, %sub3A_1256 : i32
      %select_n3A_1258 = arith.select %and3A_1255, %sub3A_1257, %div3A_1236 : i32
      %mul3A_1259 = arith.constant 16 : i32
      %mul3A_1260 = arith.muli %select_n3A_1258, %mul3A_1259 : i32
      %multiple_of3A_1261 = tpu.assume_multiple %mul3A_1260, 16 : i32
      %add3A_1262 = arith.constant 15 : i32
      %add3A_1263 = arith.addi %multiple_of3A, %add3A_1262 : i32
      %get3A_1264 = arith.index_cast %add3A_1263 : i32 to index
      %get3A_1265 = arith.index_cast %multiple_of3A_1261 : i32 to index
      %get3A_1266 = tpu.vector_load %arg6[%get3A_1264, %get3A_1265] {strides = array<i32>} : memref<64x128xf32, #tpu.memory_space<vmem>>, vector<1x16xf32>,
      %get3A_1267 = vector.shape_cast %get3A_1266 : vector<1x16xf32> to vector<16xf32>
      %jit3A_1268 = arith.constant 16 : i32
      %eq3A_1269 = arith.constant 0 : i32
      %eq3A_1270 = arith.cmpi eq, %jit3A_1268, %eq3A_1269 : i32
      %jit3A_1271 = arith.constant 1 : i32
      %select_n3A_1272 = arith.select %eq3A_1270, %jit3A_1271, %jit3A_1268 : i32
      %rem3A_1273 = arith.remsi %squeeze3A_1218, %select_n3A_1272 : i32
      %ne3A_1274 = arith.constant 0 : i32
      %ne3A_1275 = arith.cmpi ne, %rem3A_1273, %ne3A_1274 : i32
      %lt3A_1276 = arith.constant 0 : i32
      %lt3A_1277 = arith.cmpi slt, %rem3A_1273, %lt3A_1276 : i32
      %lt3A_1278 = arith.constant 0 : i32
      %lt3A_1279 = arith.cmpi slt, %select_n3A_1272, %lt3A_1278 : i32
      %ne3A_1280 = arith.xori %lt3A_1277, %lt3A_1279 : i1
      %and3A_1281 = arith.andi %ne3A_1280, %ne3A_1275 : i1
      %add3A_1282 = arith.addi %rem3A_1273, %select_n3A_1272 : i32
      %select_n3A_1283 = arith.select %and3A_1281, %add3A_1282, %rem3A_1273 : i32
      %eq3A_1284 = vector.broadcast %select_n3A_1283 : i32 to vector<16xi32>
      %eq3A_1285 = arith.cmpi eq, %iota3A, %eq3A_1284 : vector<16xi32>
      %jit3A_1286 = arith.constant 0.000000e+00 : f32
      %broadcast_in_dim3A_1287 = vector.broadcast %jit3A_1286 : f32 to vector<16xf32>
      %select_n3A_1288 = arith.select %eq3A_1285, %get3A_1267, %broadcast_in_dim3A_1287 : vector<16xi1>, vector<16xf32>
      %ne3A_1289 = arith.constant 0 : i32
      %ne3A_1290 = arith.cmpi ne, %squeeze3A_1218, %ne3A_1289 : i32
      %jit3A_1291 = arith.constant 1.000000e+00 : f32
      %jit3A_1292 = arith.constant 0.000000e+00 : f32
      %select_n3A_1293 = arith.select %ne3A_1290, %jit3A_1291, %jit3A_1292 : f32
      %mul3A_1294 = vector.broadcast %select_n3A_1293 : f32 to vector<16xf32>
      %mul3A_1295 = arith.mulf %mul3A_1294, %select_n3A_1288 : vector<16xf32>
      %add3A_1296 = arith.addf %add3A_1216, %mul3A_1295 : vector<16xf32>
      scf.yield %add3A_1296 : vector<16xf32>
    }
    %scan3A_19 = arith.constant 4 : i32
    %swap3A = arith.constant 0 : index
    %swap3A_20 = tpu.vector_load %arg7[%swap3A] {strides = array<i32>} : memref<16xf32, #tpu.memory_space<vmem>>, vector<16xf32>,
    %swap3A_21 = vector.shape_cast %swap3A_20 : vector<16xf32> to vector<16xf32>
    %swap3A_22 = vector.shape_cast %scan3A_18 : vector<16xf32> to vector<16xf32>
    tpu.vector_store %arg7[%swap3A], %swap3A_22 {strides = array<i32>} : memref<16xf32, #tpu.memory_space<vmem>>, vector<16xf32>,
    "tpu.region"() ({
      %run_scoped3A = tpu.sem_alloc : memref<!tpu.dma_semaphore, #tpu.memory_space<semaphore_mem>>
      %dma_start3A = arith.constant 0 : i32
      %dma_start3A_23 = tpu.memref_slice %arg4[%add3A, %dma_start3A] : memref<32x16xf32, #tpu.memory_space<hbm>> -> memref<1x16xf32, #tpu.memory_space<hbm>>
      %dma_start3A_24 = tpu.memref_squeeze %dma_start3A_23 : memref<1x16xf32, #tpu.memory_space<hbm>> -> memref<16xf32, #tpu.memory_space<hbm>>
      %dma_start3A_25 = arith.constant 0 : i32
      %dma_start3A_26 = tpu.memref_slice %arg4[%add3A, %dma_start3A_25] : memref<32x16xf32, #tpu.memory_space<hbm>> -> memref<1x16xf32, #tpu.memory_space<hbm>>
      %dma_start3A_27 = tpu.memref_squeeze %dma_start3A_26 : memref<1x16xf32, #tpu.memory_space<hbm>> -> memref<16xf32, #tpu.memory_space<hbm>>
      tpu.enqueue_dma source(%arg7 : memref<16xf32, #tpu.memory_space<vmem>>) target(%dma_start3A_27 : memref<16xf32, #tpu.memory_space<hbm>>) target_semaphore(%run_scoped3A : memref<!tpu.dma_semaphore, #tpu.memory_space<semaphore_mem>>)
      %dma_wait3A_28 = arith.constant 0 : i32
      %dma_wait3A_29 = tpu.memref_slice %arg4[%add3A, %dma_wait3A_28] : memref<32x16xf32, #tpu.memory_space<hbm>> -> memref<1x16xf32, #tpu.memory_space<hbm>>
      %dma_wait3A_30 = tpu.memref_squeeze %dma_wait3A_29 : memref<1x16xf32, #tpu.memory_space<hbm>> -> memref<16xf32, #tpu.memory_space<hbm>>
      %dma_wait3A_31 = arith.constant 0 : i32
      %dma_wait3A_32 = tpu.memref_slice %arg4[%add3A, %dma_wait3A_31] : memref<32x16xf32, #tpu.memory_space<hbm>> -> memref<1x16xf32, #tpu.memory_space<hbm>>
      %dma_wait3A_33 = tpu.memref_squeeze %dma_wait3A_32 : memref<1x16xf32, #tpu.memory_space<hbm>> -> memref<16xf32, #tpu.memory_space<hbm>>
      tpu.wait_dma2 semaphore(%run_scoped3A : memref<!tpu.dma_semaphore, #tpu.memory_space<semaphore_mem>>) src(%arg7 : memref<16xf32, #tpu.memory_space<vmem>>) dst(%dma_wait3A_33 : memref<16xf32, #tpu.memory_space<hbm>>)
      tpu.yield
    }) : () -> ()
    return
  }
}

module attributes {stable_mosaic.version = 14 : i64} {
  func.func @_tc_body(%arg0: i32, %arg1: i32, %arg2: memref<512xi32, #tpu.memory_space<vmem>>, %arg3: memref<512x6400xf32, #tpu.memory_space<vmem>>, %arg4: memref<1x1xf32, #tpu.memory_space<smem>>) attributes {dimension_semantics = [#tpu.dimension_semantics<arbitrary>, #tpu.dimension_semantics<arbitrary>], iteration_bounds = array<i64: 4, 5>, scalar_prefetch = 0 : i64, scratch_operands = 0 : i64, tpu.core_type = #tpu.core_type<tc>, window_params = [{transform_indices = @transform_0, window_bounds = array<i64: 512>}, {transform_indices = @transform_1, window_bounds = array<i64: 512, 6400>}, {transform_indices = @transform_2, window_bounds = array<i64: 1, 1>}]} {
    %eq3A = arith.constant 0 : i32
    %eq3A_0 = arith.cmpi eq, %arg0, %eq3A : i32
    %eq3A_1 = arith.constant 0 : i32
    %eq3A_2 = arith.cmpi eq, %arg1, %eq3A_1 : i32
    %and3A = arith.andi %eq3A_0, %eq3A_2 : i1
    %convert_element_type3A = arith.extui %and3A : i1 to i32
    %cond3A = arith.constant 0 : i32
    %cond3A_3 = arith.cmpi ne, %convert_element_type3A, %cond3A : i32
    scf.if %cond3A_3 {
      %swap3A_40 = arith.constant 0.000000e+00 : f32
      %swap3A_41 = arith.constant 0 : index
      %swap3A_42 = arith.constant 0 : index
      %swap3A_43 = memref.load %arg4[%swap3A_41, %swap3A_42] : memref<1x1xf32, #tpu.memory_space<smem>>
      memref.store %swap3A_40, %arg4[%swap3A_41, %swap3A_42] : memref<1x1xf32, #tpu.memory_space<smem>>
    } else {
    }
    %get3A = arith.constant 0 : index
    %get3A_4 = arith.constant 0 : index
    %get3A_5 = vector.load %arg3[%get3A, %get3A_4] : memref<512x6400xf32, #tpu.memory_space<vmem>>, vector<512x6400xf32>
    %get3A_6 = arith.constant 0 : index
    %get3A_7 = vector.load %arg2[%get3A_6] : memref<512xi32, #tpu.memory_space<vmem>>, vector<512xi32>
    %ne3A = arith.constant 0 : i32
    %ne3A_8 = vector.broadcast %ne3A : i32 to vector<512xi32>
    %ne3A_9 = arith.cmpi ne, %get3A_7, %ne3A_8 : vector<512xi32>
    %convert_element_type3A_10 = arith.extui %ne3A_9 : vector<512xi1> to vector<512xi32>
    %convert_element_type3A_11 = arith.sitofp %convert_element_type3A_10 : vector<512xi32> to vector<512xf32>
    %reduce_sum3A = arith.constant dense<0.000000e+00> : vector<512xf32>
    %reduce_sum3A_12 = vector.multi_reduction <add>, %get3A_5, %reduce_sum3A [1] : vector<512x6400xf32> to vector<512xf32>
    %mul3A = arith.mulf %convert_element_type3A_11, %reduce_sum3A_12 : vector<512xf32>
    %reduce_sum3A_13 = vector.shape_cast %mul3A : vector<512xf32> to vector<1x512xf32>
    %reduce_sum3A_14 = arith.constant dense<0.000000e+00> : vector<1xf32>
    %reduce_sum3A_15 = vector.multi_reduction <add>, %reduce_sum3A_13, %reduce_sum3A_14 [1] : vector<1x512xf32> to vector<1xf32>
    %reduce_sum3A_16 = vector.shape_cast %reduce_sum3A_15 : vector<1xf32> to vector<1x1xf32>
    %reduce_sum3A_17 = vector.extract %reduce_sum3A_16[0, 0] : f32 from vector<1x1xf32>
    %mul3A_18 = arith.constant -3.12519524E-6 : f32
    %mul3A_19 = arith.mulf %mul3A_18, %reduce_sum3A_17 : f32
    %eq3A_20 = arith.constant 0 : i32
    %eq3A_21 = arith.cmpi eq, %arg1, %eq3A_20 : i32
    %slice3A = vector.extract_strided_slice %get3A_5 {offsets = [0, 0], sizes = [512, 1], strides = [1, 1]} : vector<512x6400xf32> to vector<512x1xf32>
    %squeeze3A = vector.shape_cast %slice3A : vector<512x1xf32> to vector<512xf32>
    %mul3A_22 = arith.constant 3.12519524E-6 : f32
    %mul3A_23 = vector.broadcast %mul3A_22 : f32 to vector<512xf32>
    %mul3A_24 = arith.mulf %mul3A_23, %squeeze3A : vector<512xf32>
    %add3A = arith.constant -1.3624258 : f32
    %add3A_25 = vector.broadcast %add3A : f32 to vector<512xf32>
    %add3A_26 = arith.addf %add3A_25, %mul3A_24 : vector<512xf32>
    %mul3A_27 = arith.mulf %convert_element_type3A_11, %add3A_26 : vector<512xf32>
    %reduce_sum3A_28 = vector.shape_cast %mul3A_27 : vector<512xf32> to vector<1x512xf32>
    %reduce_sum3A_29 = arith.constant dense<0.000000e+00> : vector<1xf32>
    %reduce_sum3A_30 = vector.multi_reduction <add>, %reduce_sum3A_28, %reduce_sum3A_29 [1] : vector<1x512xf32> to vector<1xf32>
    %reduce_sum3A_31 = vector.shape_cast %reduce_sum3A_30 : vector<1xf32> to vector<1x1xf32>
    %reduce_sum3A_32 = vector.extract %reduce_sum3A_31[0, 0] : f32 from vector<1x1xf32>
    %jit3A = arith.constant 0.000000e+00 : f32
    %select_n3A = arith.select %eq3A_21, %reduce_sum3A_32, %jit3A : f32
    %add3A_33 = arith.addf %mul3A_19, %select_n3A : f32
    %get3A_34 = arith.constant 0 : index
    %get3A_35 = arith.constant 0 : index
    %get3A_36 = memref.load %arg4[%get3A_34, %get3A_35] : memref<1x1xf32, #tpu.memory_space<smem>>
    %add3A_37 = arith.addf %get3A_36, %add3A_33 : f32
    %swap3A = arith.constant 0 : index
    %swap3A_38 = arith.constant 0 : index
    %swap3A_39 = memref.load %arg4[%swap3A, %swap3A_38] : memref<1x1xf32, #tpu.memory_space<smem>>
    memref.store %add3A_37, %arg4[%swap3A, %swap3A_38] : memref<1x1xf32, #tpu.memory_space<smem>>
    return
  }
  func.func @transform_0(%arg0: i32, %arg1: i32) -> i32 {
    %c0_i32 = arith.constant 0 : i32
    return %arg0 : i32
  }
  func.func @transform_1(%arg0: i32, %arg1: i32) -> (i32, i32) {
    %c0_i32 = arith.constant 0 : i32
    return %arg0, %arg1 : i32, i32
  }
  func.func @transform_2(%arg0: i32, %arg1: i32) -> (i32, i32) {
    %c0_i32 = arith.constant 0 : i32
    %c0_i32_0 = arith.constant 0 : i32
    %c0_i32_1 = arith.constant 0 : i32
    return %c0_i32, %c0_i32_0 : i32, i32
  }
}

</mosaic_0001>

<sc_bundles>
// kernel: kernel.4.cloned.1.call-start
scs
__scs_entry_jumppad:
0x0: {  	(pc) =	sbr.rel $0x88, $3  }
0x1: {  	(tag) =	ssettag $0x0;
	lr =	simm.s32 $0x1  }
0x2: {  	[smem:$0x3F9F] =	sst lr;
	_ =	strace $0xD0000000  }
0x3: {  	_ = 	snop  }
0x4: {  	_ = 	snop  }
0x5: {  	_ = 	snop  }
0x6: {  	_ = 	snop  }
0x7: {  	_ = 	snop  }
__scs_overlays_trampoline_lowered:
0x8: {  	[smem:$0x3FAE] =	sst s0  }
0x9: {  	[smem:$0x3FAF] =	sst s1  }
0xa: {  	[smem:$0x3FB0] =	sst s2  }
0xb: {  	[smem:$0x3FB1] =	sst s3  }
0xc: {  	[smem:$0x3FB2] =	sst s4  }
0xd: {  	[smem:$0x3FB3] =	sst s5  }
0xe: {  	[smem:$0x3FB4] =	sst s6  }
0xf: {  	[smem:$0x3FB5] =	sst s7  }
0x10: {  	[smem:$0x3FB6] =	sst s8  }
0x11: {  	[smem:$0x3FB7] =	sst s9;
	s0 =	simm.s32 @!p0 $0x0  }
0x12: {  	s1 =	sld [smem:$0x3F9D];
	s0 =	simm.s32 @p0 $0x1  }
0x13: {  	[smem:$0x3FB8] =	sst s0;
	s0 =	simm.s32 @!p1 $0x0  }
0x14: {  	s2 =	sld [smem:$0x3F9C];
	s0 =	simm.s32 @p1 $0x1  }
0x15: {  	[smem:$0x3FB9] =	sst s0;
	s0 =	simm.s32 @!p2 $0x0  }
0x16: {  	s3 =	sld [smem:$0x3FDB];
	s0 =	simm.s32 @p2 $0x1  }
0x17: {  	s4 =	simm.s32 $0x1BF5;
	[smem:$0x3FBB] =	sst s0  }
0x18: {  	s0 =	sld [smem:$0x3F9E];
	_ =	swait.ge [sflag:s4], $0x0  }
0x19: {  	s7 =	sld [smem:$0x3F9F]  }
0x1a: {  	s8 =	sadd.s32 $0xFFFFE003, lr  }
0x1b: {  	s9 =	sadd.s32 $0xFFFFFEF7, lr;
	s5 =	simm.s32 $0xFFFFFFFF;
	p2 =	slt.u32 s8, $0xFFFFF086  }
0x1c: {  	p1 =	slt.u32 s9, $0xF7A;
	s5 =	simm.s32 @!p2 $0x0  }
0x1d: {  	s5 =	simm.s32 @p1 $0x1;
	p0 =	seq.s32 s7, s2  }
0x1e: {  	s7 =	smul.u32 @!p0 $0xF7A, s2;
	p2 =	seq.s32 @!p0 s5, $0x0  }
0x1f: {  	s9 =	smul.u32 $0xF7A, s1;
	s8 =	simm.s32 @!p0 $0x1BF5;
	p2 =	por !p2, p0  }
0x20: {  	[sflag:s8] =	ssyncset.s32 @!p0 $0xFFFFF086;
	s6 =	sadd.s32 @!p0 s3, s7;
	s7 =	simm.s32 @!p0 $0x108  }
0x21: {  	s3 =	sadd.s32 s3, s9;
	s6 =	sadd.s32 @!p0 $0x88, s6;
	s7 =	simm.s32 @p2 $0x1082  }
0x22: {  	[simem:s7], [sflag:s8] =	dma.local @!p0 [hbm:s6], $0xF7A  }
0x23: {  	s9 =	sor.u32 $0xD0000000, s2;
	s6 =	simm.s32 $0x108;
	_ =	swait.ge @!p0 [sflag:s8], $0x0  }
0x24: {  	s3 =	sadd.s32 $0x88, s3;
	s6 =	simm.s32 @!p1 $0x1082;
	[sflag:s4] =	ssyncset.s32 $0xFFFFF086  }
0x25: {  	[simem:s6], [sflag:s4] =	dma.local [hbm:s3], $0xF7A  }
0x26: {  	[smem:$0x3F9F] =	sst s1;
	(tag) =	ssettag s2;
	_ =	strace s9  }
0x27: {  	s1 =	sld [smem:$0x3FAF]  }
0x28: {  	s2 =	sld [smem:$0x3FB0]  }
0x29: {  	s4 =	sld [smem:$0x3FB2]  }
0x2a: {  	p0 =	seq.s32 s5, $0x0;
	s5 =	sld [smem:$0x3FB3]  }
0x2b: {  	s6 =	sld [smem:$0x3FB4]  }
0x2c: {  	s7 =	sld [smem:$0x3FB5]  }
0x2d: {  	s3 =	simm.s32 $0x108;
	s8 =	sld [smem:$0x3FB6]  }
0x2e: {  	s3 =	simm.s32 @!p0 $0x1082;
	s9 =	sld [smem:$0x3FB7]  }
0x2f: {  	lr =	sadd.s32 s0, s3;
	s0 =	sld [smem:$0x3FAE]  }
0x30: {  	s3 =	sld [smem:$0x3FB1]  }
0x31: {  	[smem:$0x3FBA] =	sst s10  }
0x32: {  	s10 =	sld [smem:$0x3FB8];
	_ =	sdelay $0x3  }
0x33: {  	p0 =	seq.s32 s10, $0x1;
	s10 =	sld [smem:$0x3FBA];
	_ =	sdelay $0x3  }
0x34: {  	[smem:$0x3FBA] =	sst s10  }
0x35: {  	s10 =	sld [smem:$0x3FB9];
	_ =	sdelay $0x3  }
0x36: {  	p1 =	seq.s32 s10, $0x1;
	s10 =	sld [smem:$0x3FBA];
	_ =	sdelay $0x3  }
0x37: {  	[smem:$0x3FBA] =	sst s10  }
0x38: {  	s10 =	sld [smem:$0x3FBB]  }
0x39: {  	_ = 	snop;
	(pc) =	sbr.ind lr, $3  }
0x3a: {  	_ = 	snop  }
0x3b: {  	_ = 	snop  }
0x3c: {  	p2 =	seq.s32 s10, $0x1;
	s10 =	sld [smem:$0x3FBA]  }
0x3d: {  	_ =	shalt  }
0x3e: {  	_ =	shalt  }
0x3f: {  	_ =	shalt  }
0x40: {  	_ =	shalt  }
0x41: {  	_ =	shalt  }
0x42: {  	_ =	shalt  }
0x43: {  	_ =	shalt  }
0x44: {  	_ =	shalt  }
0x45: {  	_ =	shalt  }
0x46: {  	_ =	shalt  }
0x47: {  	_ =	shalt  }
0x48: {  	_ =	shalt  }
0x49: {  	_ =	shalt  }
0x4a: {  	_ =	shalt  }
0x4b: {  	_ =	shalt  }
0x4c: {  	_ =	shalt  }
0x4d: {  	_ =	shalt  }
0x4e: {  	_ =	shalt  }
0x4f: {  	_ =	shalt  }
0x50: {  	_ =	shalt  }
0x51: {  	_ =	shalt  }
0x52: {  	_ =	shalt  }
0x53: {  	_ =	shalt  }
0x54: {  	_ =	shalt  }
0x55: {  	_ =	shalt  }
0x56: {  	_ =	shalt  }
0x57: {  	_ =	shalt  }
0x58: {  	_ =	shalt  }
0x59: {  	_ =	shalt  }
0x5a: {  	_ =	shalt  }
0x5b: {  	_ =	shalt  }
0x5c: {  	_ =	shalt  }
0x5d: {  	_ =	shalt  }
0x5e: {  	_ =	shalt  }
0x5f: {  	_ =	shalt  }
0x60: {  	_ =	shalt  }
0x61: {  	_ =	shalt  }
0x62: {  	_ =	shalt  }
0x63: {  	_ =	shalt  }
0x64: {  	_ =	shalt  }
0x65: {  	_ =	shalt  }
0x66: {  	_ =	shalt  }
0x67: {  	_ =	shalt  }
0x68: {  	_ =	shalt  }
0x69: {  	_ =	shalt  }
0x6a: {  	_ =	shalt  }
0x6b: {  	_ =	shalt  }
0x6c: {  	_ =	shalt  }
0x6d: {  	_ =	shalt  }
0x6e: {  	_ =	shalt  }
0x6f: {  	_ =	shalt  }
0x70: {  	_ =	shalt  }
0x71: {  	_ =	shalt  }
0x72: {  	_ =	shalt  }
0x73: {  	_ =	shalt  }
0x74: {  	_ =	shalt  }
0x75: {  	_ =	shalt  }
0x76: {  	_ =	shalt  }
0x77: {  	_ =	shalt  }
0x78: {  	_ =	shalt  }
0x79: {  	_ =	shalt  }
0x7a: {  	_ =	shalt  }
0x7b: {  	_ =	shalt  }
0x7c: {  	_ =	shalt  }
0x7d: {  	_ =	shalt  }
0x7e: {  	_ =	shalt  }
0x7f: {  	_ =	shalt  }
0x80: {  	_ =	shalt  }
0x81: {  	_ =	shalt  }
0x82: {  	_ =	shalt  }
0x83: {  	_ =	shalt  }
0x84: {  	_ =	shalt  }
0x85: {  	_ =	shalt  }
0x86: {  	_ =	shalt  }
0x87: {  	_ =	shalt  }
.Lfunc_end0:
.L_simem_size_0:
called_computation_lowered:
.L_overlay_start_0:
0x88: {  	s2 =	sld [smem:$0x3FD9]  }
0x89: {  	s3 =	sld [smem:$0x3FFE];
	_ =	sdelay $0x1  }
0x8a: {  	s1 =	srdreg.scid  }
0x8b: {  	s0 =	sand.u32 $0x1, s1  }
0x8c: {  	s17 =	sshll.u32 s0, $0xA;
	s2 =	sadd.s32 s3, s2  }
0x8d: {  	s2 =	sadd.s32 s2, s17  }
0x8e: {  	[smem:$0x3FC6] =	sst s2  }
0x8f: {  	_ = 	snop  }
0x90: {  	s2 =	sld [smem:$0x3FC9]  }
0x91: {  	s18 =	sld [smem:$0x3FC8];
	(tm) =	ssettm $0x1  }
0x92: {  	s4 =	sld [smem:$0x3FFB];
	_ =	sdelay $0x3  }
0x93: {  	_ =	strace s4  }
0x94: {  	s4 =	sld [smem:$0x3FFC];
	_ =	sdelay $0x3  }
0x95: {  	_ =	strace s4  }
0x96: {  	s4 =	sld [smem:$0x3FFD];
	_ =	sdelay $0x3  }
0x97: {  	_ =	strace s4  }
0x98: {  	_ =	strace $0x8FFFFFFF  }
0x99: {  	s19 =	sld [smem:$0x3FDB];
	_ =	sdelay $0x1  }
0x9a: {  	s5 =	simm.s32 $_scs_section_size  }
0x9b: {  	s6 =	simm.s32 $_size__tile_overlayer_lowered;
	s7 =	simm.s32 $_tile_overlayer_lowered  }
0x9c: {  	s22 =	simm.s32 $0x1BFF;
	s21 =	sshll.u32 s7, $0x1;
	s4 =	sadd.s32 s5, s19  }
0x9d: {  	s8 =	simm.s32 $0x0;
	s20 =	sshll.u32 s6, $0x1;
	s6 =	sadd.s32 s21, s4  }
0x9e: {  	[timem:s8], [sflag:s22] =	dma.local [hbm:s6], s20  }
0x9f: {  	_ =	swait.ge [sflag:s22], s20  }
0xa0: {  	s5 =	ssub.s32 $0x0, s20;
	[sflag:s22] =	ssyncset.done $0x0  }
0xa1: {  	[sflag:s22] =	ssyncadd.s32 s5;
	_ =	sdelay $0x1  }
0xa2: {  	s23 =	simm.s32 $0x1B8B  }
0xa3: {  	_ =	swait.ge [sflag:s23], $0x1  }
0xa4: {  	[sflag:s23] =	ssyncset.done $0x0  }
0xa5: {  	s25 =	simm.s32 $0x1B8E;
	s24 =	sld [smem:$0x3FFE];
	[sflag:s23] =	ssyncadd.s32 $0xFFFFFFFF  }
0xa6: {  	s26 =	simm.s32 $execute0_lowered;
	[smem:$0x3FD2] =	sst s25  }
0xa7: {  	s6 =	sshll.u32 s26, $0x1;
	_ =	strace $0x80000046;
	[dreg:$0x1] =	wrdreg $0xFFFFFFFF  }
0xa8: {  	s28 =	simm.s32 $_size_execute0_lowered;
	s4 =	sadd.s32 s4, s6;
	[dreg:$0x0] =	wrdreg $0x0  }
0xa9: {  	s6 =	sshll.u32 s28, $0x1;
	[dreg:$0x2] =	wrdreg s4  }
0xaa: {  	[dreg:$0x3] =	wrdreg s6  }
0xab: {  	[dreg:$0x4] =	wrdreg $0xC0  }
0xac: {  	_ =	task [dreg:s8], $0x5FFFF  }
0xad: {  	[dreg:$0x1] =	wrdreg $0xFFFFFFFF  }
0xae: {  	[dreg:$0x0] =	wrdreg $0x60  }
0xaf: {  	[dreg:$0x2] =	wrdreg s2  }
0xb0: {  	[dreg:$0x3] =	wrdreg s18  }
0xb1: {  	[dreg:$0x4] =	wrdreg s24  }
0xb2: {  	[dreg:$0x5] =	wrdreg $0x9  }
0xb3: {  	_ =	task.clear_ibuf [dreg:s8], $0x6FFFF;
	_ =	strace $0x90000046  }
0xb4: {  	s29 =	simm.s32 $0x9;
	_ =	strace $0x80000048  }
0xb5: {  	_ =	swait.ge [sflag:s29], $0x1  }
0xb6: {  	[sflag:s29] =	ssyncadd.s32 $0xFFFFFFFF  }
0xb7: {  	_ =	strace $0x90000048  }
0xb8: {  	_ =	sfence  }
0xb9: {  	s30 =	sld [smem:$0x0];
	_ =	sdelay $0x2  }
0xba: {  	s31 =	sshll.u32 s1, $0xD;
	s1 =	sshrl.u32 s1, $0x2  }
0xbb: {  	s3 =	sand.u32 $0x4000, s31;
	s1 =	sadd.s32 s1, s30  }
0xbc: {  	s0 =	sor.u32 s3, s0;
	s1 =	sshll.u32 s1, $0x11  }
0xbd: {  	s0 =	sor.u32 s1, s0  }
0xbe: {  	s0 =	sadd.s32 $0x8F2B, s0  }
0xbf: {  	[sflag:s0] =	ssyncadd.remote.s32 $0x1  }
0xc0: {  	_ =	sfence.sel $0xFFFF  }
0xc1: {  	[dreg:$0x0] =	wrdreg $0xFFFFFFFF;
	(pc) =	sbr.abs _section_cstart, $3  }
0xc2: {  	[dreg:$0x1] =	wrdreg $0xFFFFFFFF  }
0xc3: {  	_ =	task.clear_ibuf [dreg:s8], $0x2FFFF;
	_ =	strace $0x9FFFFFFF  }
0xc4: {  	(tm) =	ssettm $0x7FFFFFFF  }
0xc5: {  	_ =	shalt  }
tec
execute0_lowered:
.L_overlay_start_1:
0x0: {  	(tag) =	ssettag $0x1  }
0x1: {  	s13 =	rddreg [dreg:$0x0]  }
0x2: {  	s0 =	rddreg [dreg:$0x1]  }
0x3: {  	s3 =	srdreg.scid;
	s2 =	stileid.u32  }
0x4: {  	s1 =	rddreg [dreg:$0x2];
	s4 =	sand.u32 $0x1, s3;
	s5 =	sshll.u32 s2, $0x1  }
0x5: {  	s3 =	simm.s32 $0x0;
	s29 =	sshll.u32 s2, $0x7;
	s9 =	sadd.s32 $0x50, s13  }
0x6: {  	s10 =	sadd.s32 $0x60, s13;
	s11 =	sadd.s32 $0x70, s13;
	s2 =	simm.s32 $0x0  }
0x7: {  	s5 =	sor.u32 s4, s5;
	s6 =	ssub.s32 $0x2, s4;
	[smem:$0x7FF] =	sst s3  }
0x8: {  	s4 =	sshll.u32 s4, $0x6;
	s7 =	sshll.u32 s5, $0x4;
	s8 =	sshrl.u32 s6, $0x1  }
0x9: {  	_ =	strace $0x80000047;
	s5 =	sshll.u32 s5, $0x3;
	s30 =	sor.u32 s4, s29  }
0xa: {  	s1 =	sadd.s32 s7, s1;
	s12 =	ssub.s32 s6, s8;
	s0 =	sadd.s32 s0, s5  }
0xb: {  	s5 =	sadd.s32 $0x10, s13;
	[dreg:$0x4] =	wrdreg s0;
	s0 =	sshrl.u32 s30, $0x3  }
0xc: {  	s1 =	sadd.s32 $0x200, s1;
	[dreg:$0xa] =	wrdreg s5;
	s0 =	smul.u32 $0x3E800, s0  }
0xd: {  	s6 =	sadd.s32 $0x20, s13;
	s31 =	smax.u32 s12, $0x1;
	[dreg:$0x5] =	wrdreg s1  }
0xe: {  	s7 =	sadd.s32 $0x30, s13;
	[dreg:$0x6] =	wrdreg s31;
	s0 =	sadd.s32 $0x3E800, s0  }
0xf: {  	v0 =	vlaneseq.u32;
	s8 =	sadd.s32 $0x40, s13;
	s1 =	simm.s32 $0x2;
	[dreg:$0x7] =	wrdreg s0  }
.LBB2_1:
0x10: {  	[dreg:$0x8] =	wrdreg s2  }
0x11: {  	s0 =	rddreg [dreg:$0x4]  }
0x12: {  	[tilespmem:s3], [sflag:$0x2] =	stream.linear.gather [hbm4b:s0+s3], $0x40, $0x38;
	[tilespmem:$0x2100] =	vst v63  }
0x13: {  	_ =	swait.ge [sflag:s1], $0x40  }
0x14: {  	s19 =	simm.s32 $0x0;
	[sflag:s1] =	ssyncset.done $0x0  }
0x15: {  	s21 =	simm.s32 $0x0;
	s20 =	rddreg [dreg:$0x7];
	[sflag:s1] =	ssyncadd.s32 $0xFFFFFFC0  }
.LBB2_2:
0x16: {  	v1 =	vld [tilespmem:s19+$0x0];
	_ =	sdelay $0x4  }
0x17: {  	(v2sf) =	vpush v1, $0x0;
	_ =	sdelay $0x7  }
0x18: {  	(v2sf) =	vpush v1, $0x1;
	_ =	sdelay $0x6  }
0x19: {  	s0 =	spop (v2sf)  }
0x1a: {  	s1 =	sand.u32 $0x7F, s0  }
0x1b: {  	(v2sf) =	vpush v1, $0x2;
	s4 =	sshra.s32 s0, $0x1F;
	p0 =	slt.s32 s0, $0x1;
	p1 =	sne.s32 s1, $0x0  }
0x1c: {  	s12 =	sshrl.u32 s4, $0x19;
	p0 =	por !p0, !p1  }
0x1d: {  	s1 =	simm.s32 $0x1;
	s0 =	sadd.s32 s12, s0;
	p0 =	por !p0, !p0  }
0x1e: {  	s0 =	sshrl.u32 s0, $0x7;
	s1 =	simm.s32 @!p0 $0x0  }
0x1f: {  	s0 =	ssub.s32 s0, s1  }
0x20: {  	s22 =	sshra.s32 s21, $0x2;
	s0 =	sshll.u32 s0, $0xA  }
0x21: {  	s14 =	sadd.s32 $0x80, s22;
	s15 =	spop (v2sf);
	s0 =	sadd.s32 s0, s20  }
0x22: {  	s16 =	sand.u32 $0x7F, s15;
	s17 =	sshra.s32 s15, $0x1F;
	s0 =	sadd.s32 $0xFFFC1800, s0  }
0x23: {  	p2 =	slt.s32 s15, $0x1;
	p1 =	sne.s32 s16, $0x0;
	s0 =	sshrl.u32 s0, $0x3  }
0x24: {  	(v2sf) =	vpush v1, $0x3;
	p0 =	por !p2, !p1;
	s1 =	sshrl.u32 s17, $0x19;
	s0 =	sadd.s32 s13, s0  }
0x25: {  	[tilespmem:s14], [sflag:$0x1] =	stream.linear.gather [hbm4b:s0+s3], $0x80, $0x38;
	[tilespmem:$0x2100] =	vst v63  }
0x26: {  	p0 =	por !p0, !p0;
	s0 =	sadd.s32 s1, s15;
	s1 =	simm.s32 $0x1  }
0x27: {  	s0 =	sshrl.u32 s0, $0x7;
	s1 =	simm.s32 @!p0 $0x0  }
0x28: {  	s0 =	ssub.s32 s0, s1  }
0x29: {  	s0 =	sshll.u32 s0, $0xA  }
0x2a: {  	s18 =	sadd.s32 $0x100, s22;
	s23 =	spop (v2sf);
	s0 =	sadd.s32 s0, s20  }
0x2b: {  	s24 =	sand.u32 $0x7F, s23;
	s25 =	sshra.s32 s23, $0x1F;
	s0 =	sadd.s32 $0xFFFC1800, s0  }
0x2c: {  	p4 =	slt.s32 s23, $0x1;
	p3 =	sne.s32 s24, $0x0;
	s0 =	sshrl.u32 s0, $0x3  }
0x2d: {  	(v2sf) =	vpush v1, $0x4;
	s1 =	sshrl.u32 s25, $0x19;
	p0 =	por !p4, !p3;
	s0 =	sadd.s32 s0, s5  }
0x2e: {  	[tilespmem:s18], [sflag:$0x1] =	stream.linear.gather [hbm4b:s0+s3], $0x80, $0x38;
	[tilespmem:$0x2100] =	vst v63  }
0x2f: {  	p0 =	por !p0, !p0;
	s0 =	sadd.s32 s1, s23;
	s1 =	simm.s32 $0x1  }
0x30: {  	s0 =	sshrl.u32 s0, $0x7;
	s1 =	simm.s32 @!p0 $0x0  }
0x31: {  	s0 =	ssub.s32 s0, s1  }
0x32: {  	s0 =	sshll.u32 s0, $0xA  }
0x33: {  	s26 =	sadd.s32 $0x180, s22;
	s28 =	spop (v2sf);
	s0 =	sadd.s32 s0, s20  }
0x34: {  	s29 =	sand.u32 $0x7F, s28;
	s30 =	sshra.s32 s28, $0x1F;
	s0 =	sadd.s32 $0xFFFC1800, s0  }
0x35: {  	p6 =	slt.s32 s28, $0x1;
	p5 =	sne.s32 s29, $0x0;
	s0 =	sshrl.u32 s0, $0x3  }
0x36: {  	(v2sf) =	vpush v1, $0x5;
	p0 =	por !p6, !p5;
	s1 =	sshrl.u32 s30, $0x19;
	s0 =	sadd.s32 s0, s6  }
0x37: {  	[tilespmem:s26], [sflag:$0x1] =	stream.linear.gather [hbm4b:s0+s3], $0x80, $0x38;
	[tilespmem:$0x2100] =	vst v63  }
0x38: {  	p0 =	por !p0, !p0;
	s0 =	sadd.s32 s1, s28;
	s1 =	simm.s32 $0x1  }
0x39: {  	s0 =	sshrl.u32 s0, $0x7;
	s1 =	simm.s32 @!p0 $0x0  }
0x3a: {  	s0 =	ssub.s32 s0, s1  }
0x3b: {  	s0 =	sshll.u32 s0, $0xA  }
0x3c: {  	s31 =	sadd.s32 $0x200, s22;
	s2 =	spop (v2sf);
	s0 =	sadd.s32 s0, s20  }
0x3d: {  	s4 =	sand.u32 $0x7F, s2;
	s12 =	sshra.s32 s2, $0x1F;
	s0 =	sadd.s32 $0xFFFC1800, s0  }
0x3e: {  	p2 =	slt.s32 s2, $0x1;
	p1 =	sne.s32 s4, $0x0;
	s0 =	sshrl.u32 s0, $0x3  }
0x3f: {  	(v2sf) =	vpush v1, $0x6;
	s1 =	sshrl.u32 s12, $0x19;
	p0 =	por !p2, !p1;
	s0 =	sadd.s32 s0, s7  }
0x40: {  	[tilespmem:s31], [sflag:$0x1] =	stream.linear.gather [hbm4b:s0+s3], $0x80, $0x38;
	[tilespmem:$0x2100] =	vst v63  }
0x41: {  	p0 =	por !p0, !p0;
	s0 =	sadd.s32 s1, s2;
	s1 =	simm.s32 $0x1  }
0x42: {  	s0 =	sshrl.u32 s0, $0x7;
	s1 =	simm.s32 @!p0 $0x0  }
0x43: {  	s0 =	ssub.s32 s0, s1  }
0x44: {  	s0 =	sshll.u32 s0, $0xA  }
0x45: {  	s14 =	sadd.s32 $0x280, s22;
	s15 =	spop (v2sf);
	s0 =	sadd.s32 s0, s20  }
0x46: {  	s16 =	sand.u32 $0x7F, s15;
	s17 =	sshra.s32 s15, $0x1F;
	s0 =	sadd.s32 $0xFFFC1800, s0  }
0x47: {  	p4 =	slt.s32 s15, $0x1;
	p3 =	sne.s32 s16, $0x0;
	s0 =	sshrl.u32 s0, $0x3  }
0x48: {  	(v2sf) =	vpush v1, $0x7;
	p0 =	por !p4, !p3;
	s1 =	sshrl.u32 s17, $0x19;
	s0 =	sadd.s32 s0, s8  }
0x49: {  	[tilespmem:s14], [sflag:$0x1] =	stream.linear.gather [hbm4b:s0+s3], $0x80, $0x38;
	[tilespmem:$0x2100] =	vst v63  }
0x4a: {  	p0 =	por !p0, !p0;
	s0 =	sadd.s32 s1, s15;
	s1 =	simm.s32 $0x1  }
0x4b: {  	s0 =	sshrl.u32 s0, $0x7;
	s1 =	simm.s32 @!p0 $0x0  }
0x4c: {  	s0 =	ssub.s32 s0, s1  }
0x4d: {  	s0 =	sshll.u32 s0, $0xA  }
0x4e: {  	s18 =	sadd.s32 $0x300, s22;
	s23 =	spop (v2sf);
	s0 =	sadd.s32 s0, s20  }
0x4f: {  	s24 =	sand.u32 $0x7F, s23;
	s25 =	sshra.s32 s23, $0x1F;
	s0 =	sadd.s32 $0xFFFC1800, s0  }
0x50: {  	p6 =	slt.s32 s23, $0x1;
	p5 =	sne.s32 s24, $0x0;
	s0 =	sshrl.u32 s0, $0x3  }
0x51: {  	(v2sf) =	vpush v1, $0x8;
	s1 =	sshrl.u32 s25, $0x19;
	p0 =	por !p6, !p5;
	s0 =	sadd.s32 s0, s9  }
0x52: {  	[tilespmem:s18], [sflag:$0x1] =	stream.linear.gather [hbm4b:s0+s3], $0x80, $0x38;
	[tilespmem:$0x2100] =	vst v63  }
0x53: {  	p0 =	por !p0, !p0;
	s0 =	sadd.s32 s1, s23;
	s1 =	simm.s32 $0x1  }
0x54: {  	s0 =	sshrl.u32 s0, $0x7;
	s1 =	simm.s32 @!p0 $0x0  }
0x55: {  	s0 =	ssub.s32 s0, s1  }
0x56: {  	s0 =	sshll.u32 s0, $0xA  }
0x57: {  	s26 =	sadd.s32 $0x380, s22;
	s28 =	spop (v2sf);
	s0 =	sadd.s32 s0, s20  }
0x58: {  	s29 =	sand.u32 $0x7F, s28;
	s30 =	sshra.s32 s28, $0x1F;
	s0 =	sadd.s32 $0xFFFC1800, s0  }
0x59: {  	(v2sf) =	vpush v1, $0x9;
	p2 =	slt.s32 s28, $0x1;
	p1 =	sne.s32 s29, $0x0;
	s0 =	sshrl.u32 s0, $0x3  }
0x5a: {  	p0 =	por !p2, !p1;
	s1 =	sshrl.u32 s30, $0x19;
	s0 =	sadd.s32 s0, s10  }
0x5b: {  	[tilespmem:s26], [sflag:$0x1] =	stream.linear.gather [hbm4b:s0+s3], $0x80, $0x38;
	[tilespmem:$0x2100] =	vst v63  }
0x5c: {  	p0 =	por !p0, !p0;
	s0 =	sadd.s32 s1, s28;
	s1 =	simm.s32 $0x1  }
0x5d: {  	s0 =	sshrl.u32 s0, $0x7;
	s1 =	simm.s32 @!p0 $0x0  }
0x5e: {  	s0 =	ssub.s32 s0, s1  }
0x5f: {  	s0 =	sshll.u32 s0, $0xA  }
0x60: {  	s31 =	sadd.s32 $0x400, s22;
	s2 =	spop (v2sf);
	s0 =	sadd.s32 s0, s20  }
0x61: {  	(v2sf) =	vpush v1, $0xA;
	s4 =	sand.u32 $0x7F, s2;
	s12 =	sshra.s32 s2, $0x1F;
	s0 =	sadd.s32 $0xFFFC1800, s0  }
0x62: {  	p4 =	slt.s32 s2, $0x1;
	p3 =	sne.s32 s4, $0x0;
	s0 =	sshrl.u32 s0, $0x3  }
0x63: {  	s1 =	sshrl.u32 s12, $0x19;
	p0 =	por !p4, !p3;
	s0 =	sadd.s32 s0, s11  }
0x64: {  	[tilespmem:s31], [sflag:$0x1] =	stream.linear.gather [hbm4b:s0+s3], $0x80, $0x38;
	[tilespmem:$0x2100] =	vst v63  }
0x65: {  	p0 =	por !p0, !p0;
	s0 =	sadd.s32 s1, s2;
	s1 =	simm.s32 $0x1  }
0x66: {  	s0 =	sshrl.u32 s0, $0x7;
	s1 =	simm.s32 @!p0 $0x0  }
0x67: {  	s0 =	ssub.s32 s0, s1  }
0x68: {  	s14 =	sadd.s32 $0x480, s22;
	s15 =	spop (v2sf);
	s0 =	sshll.u32 s0, $0xA  }
0x69: {  	(v2sf) =	vpush v1, $0xB;
	s16 =	sand.u32 $0x7F, s15;
	s17 =	sshra.s32 s15, $0x1F;
	s0 =	sadd.s32 s0, s20  }
0x6a: {  	p6 =	slt.s32 s15, $0x1;
	p5 =	sne.s32 s16, $0x0;
	s0 =	sshrl.u32 s0, $0x3  }
0x6b: {  	p0 =	por !p6, !p5;
	s1 =	sshrl.u32 s17, $0x19;
	s0 =	sadd.s32 s13, s0  }
0x6c: {  	[tilespmem:s14], [sflag:$0x1] =	stream.linear.gather [hbm4b:s0+s3], $0x80, $0x38;
	[tilespmem:$0x2100] =	vst v63  }
0x6d: {  	p0 =	por !p0, !p0;
	s0 =	sadd.s32 s1, s15;
	s1 =	simm.s32 $0x1  }
0x6e: {  	s0 =	sshrl.u32 s0, $0x7;
	s1 =	simm.s32 @!p0 $0x0  }
0x6f: {  	s0 =	ssub.s32 s0, s1  }
0x70: {  	s18 =	sadd.s32 $0x500, s22;
	s23 =	spop (v2sf);
	s0 =	sshll.u32 s0, $0xA  }
0x71: {  	(v2sf) =	vpush v1, $0xC;
	s24 =	sand.u32 $0x7F, s23;
	s25 =	sshra.s32 s23, $0x1F;
	s0 =	sadd.s32 s0, s20  }
0x72: {  	p2 =	slt.s32 s23, $0x1;
	p1 =	sne.s32 s24, $0x0;
	s0 =	sshrl.u32 s0, $0x3  }
0x73: {  	s1 =	sshrl.u32 s25, $0x19;
	p0 =	por !p2, !p1;
	s0 =	sadd.s32 s0, s5  }
0x74: {  	[tilespmem:s18], [sflag:$0x1] =	stream.linear.gather [hbm4b:s0+s3], $0x80, $0x38;
	[tilespmem:$0x2100] =	vst v63  }
0x75: {  	p0 =	por !p0, !p0;
	s0 =	sadd.s32 s1, s23;
	s1 =	simm.s32 $0x1  }
0x76: {  	s0 =	sshrl.u32 s0, $0x7;
	s1 =	simm.s32 @!p0 $0x0  }
0x77: {  	s0 =	ssub.s32 s0, s1  }
0x78: {  	s26 =	sadd.s32 $0x580, s22;
	s28 =	spop (v2sf);
	s0 =	sshll.u32 s0, $0xA  }
0x79: {  	(v2sf) =	vpush v1, $0xD;
	s29 =	sand.u32 $0x7F, s28;
	s30 =	sshra.s32 s28, $0x1F;
	s0 =	sadd.s32 s0, s20  }
0x7a: {  	p4 =	slt.s32 s28, $0x1;
	p3 =	sne.s32 s29, $0x0;
	s0 =	sshrl.u32 s0, $0x3  }
0x7b: {  	p0 =	por !p4, !p3;
	s1 =	sshrl.u32 s30, $0x19;
	s0 =	sadd.s32 s0, s6  }
0x7c: {  	[tilespmem:s26], [sflag:$0x1] =	stream.linear.gather [hbm4b:s0+s3], $0x80, $0x38;
	[tilespmem:$0x2100] =	vst v63  }
0x7d: {  	p0 =	por !p0, !p0;
	s0 =	sadd.s32 s1, s28;
	s1 =	simm.s32 $0x1  }
0x7e: {  	s0 =	sshrl.u32 s0, $0x7;
	s1 =	simm.s32 @!p0 $0x0  }
0x7f: {  	s0 =	ssub.s32 s0, s1  }
0x80: {  	s31 =	sadd.s32 $0x600, s22;
	s2 =	spop (v2sf);
	s0 =	sshll.u32 s0, $0xA  }
0x81: {  	(v2sf) =	vpush v1, $0xE;
	s4 =	sand.u32 $0x7F, s2;
	s12 =	sshra.s32 s2, $0x1F;
	s0 =	sadd.s32 s0, s20  }
0x82: {  	p6 =	slt.s32 s2, $0x1;
	p5 =	sne.s32 s4, $0x0;
	s0 =	sshrl.u32 s0, $0x3  }
0x83: {  	s1 =	sshrl.u32 s12, $0x19;
	p0 =	por !p6, !p5;
	s0 =	sadd.s32 s0, s7  }
0x84: {  	[tilespmem:s31], [sflag:$0x1] =	stream.linear.gather [hbm4b:s0+s3], $0x80, $0x38;
	[tilespmem:$0x2100] =	vst v63  }
0x85: {  	p0 =	por !p0, !p0;
	s0 =	sadd.s32 s1, s2;
	s1 =	simm.s32 $0x1  }
0x86: {  	s0 =	sshrl.u32 s0, $0x7;
	s1 =	simm.s32 @!p0 $0x0  }
0x87: {  	s0 =	ssub.s32 s0, s1  }
0x88: {  	s14 =	sadd.s32 $0x680, s22;
	s15 =	spop (v2sf);
	s0 =	sshll.u32 s0, $0xA  }
0x89: {  	(v2sf) =	vpush v1, $0xF;
	s16 =	sand.u32 $0x7F, s15;
	s17 =	sshra.s32 s15, $0x1F;
	s0 =	sadd.s32 s0, s20  }
0x8a: {  	p2 =	slt.s32 s15, $0x1;
	p1 =	sne.s32 s16, $0x0;
	s0 =	sshrl.u32 s0, $0x3  }
0x8b: {  	p0 =	por !p2, !p1;
	s1 =	sshrl.u32 s17, $0x19;
	s0 =	sadd.s32 s0, s8  }
0x8c: {  	[tilespmem:s14], [sflag:$0x1] =	stream.linear.gather [hbm4b:s0+s3], $0x80, $0x38;
	[tilespmem:$0x2100] =	vst v63  }
0x8d: {  	p0 =	por !p0, !p0;
	s0 =	sadd.s32 s1, s15;
	s1 =	simm.s32 $0x1  }
0x8e: {  	s0 =	sshrl.u32 s0, $0x7;
	s1 =	simm.s32 @!p0 $0x0  }
0x8f: {  	s0 =	ssub.s32 s0, s1  }
0x90: {  	s18 =	sadd.s32 $0x700, s22;
	s23 =	spop (v2sf);
	s0 =	sshll.u32 s0, $0xA  }
0x91: {  	s24 =	sand.u32 $0x7F, s23;
	s25 =	sshra.s32 s23, $0x1F;
	s0 =	sadd.s32 s0, s20  }
0x92: {  	p4 =	slt.s32 s23, $0x1;
	p3 =	sne.s32 s24, $0x0;
	s0 =	sshrl.u32 s0, $0x3  }
0x93: {  	s1 =	sshrl.u32 s25, $0x19;
	p0 =	por !p4, !p3;
	s0 =	sadd.s32 s0, s9  }
0x94: {  	[tilespmem:s18], [sflag:$0x1] =	stream.linear.gather [hbm4b:s0+s3], $0x80, $0x38;
	[tilespmem:$0x2100] =	vst v63  }
0x95: {  	p0 =	por !p0, !p0;
	s0 =	sadd.s32 s1, s23;
	s1 =	simm.s32 $0x1  }
0x96: {  	s0 =	sshrl.u32 s0, $0x7;
	s1 =	simm.s32 @!p0 $0x0  }
0x97: {  	s0 =	ssub.s32 s0, s1  }
0x98: {  	s26 =	sadd.s32 $0x780, s22;
	s28 =	spop (v2sf);
	s0 =	sshll.u32 s0, $0xA  }
0x99: {  	s29 =	sand.u32 $0x7F, s28;
	s30 =	sshra.s32 s28, $0x1F;
	s0 =	sadd.s32 s0, s20  }
0x9a: {  	p6 =	slt.s32 s28, $0x1;
	p5 =	sne.s32 s29, $0x0;
	s0 =	sshrl.u32 s0, $0x3  }
0x9b: {  	p0 =	por !p6, !p5;
	s1 =	sshrl.u32 s30, $0x19;
	s0 =	sadd.s32 s0, s10  }
0x9c: {  	[tilespmem:s26], [sflag:$0x1] =	stream.linear.gather [hbm4b:s0+s3], $0x80, $0x38;
	[tilespmem:$0x2100] =	vst v63  }
0x9d: {  	p0 =	por !p0, !p0;
	s0 =	sadd.s32 s1, s28;
	s1 =	simm.s32 $0x1  }
0x9e: {  	s0 =	sshrl.u32 s0, $0x7;
	s1 =	simm.s32 @!p0 $0x0  }
0x9f: {  	p0 =	sne.s32 s21, $0x6000;
	s0 =	ssub.s32 s0, s1  }
.Ltmp0:
0xa0: {  	s0 =	sshll.u32 s0, $0xA;
	(pc) =	sbr.rel @p0 .LBB2_2-.Ltmp0, $4  }
0xa1: {  	s0 =	sadd.s32 s0, s20  }
0xa2: {  	s19 =	sadd.s32 $0x10, s19;
	s31 =	sadd.s32 $0x800, s22;
	s0 =	sshrl.u32 s0, $0x3  }
0xa3: {  	s21 =	sadd.s32 $0x2000, s21;
	s20 =	sadd.s32 $0x7D000, s20;
	s0 =	sadd.s32 s0, s11  }
0xa4: {  	[tilespmem:s31], [sflag:$0x1] =	stream.linear.gather [hbm4b:s0+s3], $0x80, $0x38;
	[tilespmem:$0x2100] =	vst v63  }
0xa5: {  	s0 =	simm.s32 $0x1  }
0xa6: {  	_ =	swait.ge [sflag:s0], $0x2000  }
0xa7: {  	[sflag:s0] =	ssyncset.done $0x0  }
0xa8: {  	s20 =	simm.s32 $0x0;
	[sflag:s0] =	ssyncadd.s32 $0xFFFFE000  }
0xa9: {  	v1 =	vld [tilespmem:s20+$0x0];
	_ =	sdelay $0x4  }
0xaa: {  	(v2sf) =	vpush v1, $0x0  }
0xab: {  	(v2sf) =	vpush v1, $0x1;
	_ =	sdelay $0x1  }
0xac: {  	(v2sf) =	vpush v1, $0x2  }
0xad: {  	(v2sf) =	vpush v1, $0x3;
	_ =	sdelay $0x1  }
0xae: {  	(v2sf) =	vpush v1, $0x4;
	_ =	sdelay $0x2  }
0xaf: {  	(v2sf) =	vpush v1, $0x5  }
0xb0: {  	(v2sf) =	vpush v1, $0x6;
	_ =	sdelay $0x1  }
0xb1: {  	(v2sf) =	vpush v1, $0x7  }
0xb2: {  	(v2sf) =	vpush v1, $0x8  }
0xb3: {  	(v2sf) =	vpush v1, $0x9  }
0xb4: {  	s26 =	simm.s32 $0x10;
	s21 =	spop (v2sf)  }
0xb5: {  	s15 =	simm.f32 $0.0e+00;
	(v2sf) =	vpush v1, $0xA;
	s1 =	sand.u32 $0x70, s21;
	s4 =	spop (v2sf)  }
0xb6: {  	s25 =	sand.u32 $0xF, s21;
	p0 =	seq.s32 s21, $0x0;
	s12 =	sadd.s32 $0x0, s1  }
0xb7: {  	(v2sf) =	vpush v1, $0xB;
	s13 =	spop (v2sf);
	s28 =	sand.u32 $0xF, s4;
	s2 =	sand.u32 $0x70, s4  }
0xb8: {  	s15 =	simm.s32 @!p0 $0x3F800000;
	p1 =	seq.s32 s4, $0x0;
	s22 =	spop (v2sf)  }
0xb9: {  	s14 =	sand.u32 $0x70, s13;
	s29 =	sadd.s32 $0x0, s2;
	s20 =	sand.u32 $0xF, s13  }
0xba: {  	p0 =	seq.s32 s13, $0x0;
	s13 =	simm.f32 $0.0e+00;
	s23 =	spop (v2sf)  }
0xbb: {  	s5 =	sadd.s32 $0x0, s14;
	s30 =	sand.u32 $0xF, s22;
	[dreg:$0xe] =	wrdreg s20  }
0xbc: {  	s18 =	sand.u32 $0x70, s22;
	p4 =	seq.s32 s22, $0x0;
	[dreg:$0xd] =	wrdreg s5  }
0xbd: {  	s31 =	sand.u32 $0xF, s23;
	s24 =	spop (v2sf);
	s14 =	sand.u32 $0x70, s23  }
0xbe: {  	s16 =	sadd.s32 $0x0, s18;
	p2 =	seq.s32 s23, $0x0;
	s21 =	spop (v2sf)  }
0xbf: {  	s4 =	sadd.s32 $0x0, s14;
	s19 =	sand.u32 $0x70, s24;
	s13 =	simm.s32 @!p2 $0x3F800000  }
0xc0: {  	p3 =	seq.s32 s24, $0x0;
	s2 =	sand.u32 $0xF, s21;
	s17 =	spop (v2sf)  }
0xc1: {  	s20 =	sadd.s32 $0x0, s19;
	[dreg:$0x10] =	wrdreg s2;
	s5 =	spop (v2sf)  }
0xc2: {  	v4 =	vld [tilespmem:s26+$0x0];
	(v2sf) =	vpush v1, $0xC;
	s18 =	sand.u32 $0x70, s17;
	s26 =	sand.u32 $0xF, s17;
	s0 =	spop (v2sf)  }
0xc3: {  	v2 =	vld [tilespmem:s12+$0x80];
	(v2sf) =	vpush v1, $0xD;
	s18 =	sadd.s32 $0x0, s18;
	[dreg:$0xc] =	wrdreg s5;
	s12 =	sand.u32 $0x70, s5  }
0xc4: {  	v8 =	vld [tilespmem:s16+$0x200];
	(v2sf) =	vpush v1, $0xE;
	s16 =	rddreg [dreg:$0x10];
	s19 =	spop (v2sf);
	s23 =	sand.u32 $0x70, s0  }
0xc5: {  	(v2sf) =	vpush v1, $0xF;
	v1 =	vmov s25;
	s1 =	smov.u32 s0;
	s25 =	sadd.s32 $0x0, s12;
	s12 =	sand.u32 $0x70, s21  }
0xc6: {  	v3 =	vld [tilespmem:s4+$0x280];
	v11 =	vmov s16;
	s16 =	simm.f32 $0.0e+00;
	s2 =	sand.u32 $0x70, s19;
	s14 =	spop (v2sf)  }
0xc7: {  	v6 =	vld [tilespmem:s29+$0x100];
	vm0 =	veq.s32 v1, v0;
	s23 =	sadd.s32 $0x0, s23;
	s29 =	sand.u32 $0xF, s1;
	s4 =	sand.u32 $0xF, s19  }
0xc8: {  	v2 =	vnsel vm0, $0x0, v2;
	s16 =	simm.s32 @!p0 $0x3F800000;
	s0 =	sand.u32 $0x70, s14;
	[dreg:$0xf] =	wrdreg s23  }
0xc9: {  	v5 =	vmov s31;
	s2 =	sadd.s32 $0x0, s2;
	s23 =	simm.f32 $0.0e+00;
	v2 =	vmul.f32 s15, v2;
	s15 =	sand.u32 $0xF, s14  }
0xca: {  	vm1 =	veq.s32 v5, v0;
	v13 =	vmov s29;
	p6 =	seq.s32 s14, $0x0;
	s14 =	simm.f32 $0.0e+00;
	s29 =	simm.f32 $0.0e+00  }
0xcb: {  	v1 =	vmov s28;
	v3 =	vnsel vm1, $0x0, v3;
	[dreg:$0xb] =	wrdreg s2;
	s0 =	sadd.s32 $0x0, s0;
	s23 =	simm.s32 @!p1 $0x3F800000  }
0xcc: {  	v7 =	vmov s30;
	vm0 =	veq.s32 v1, v0;
	s2 =	sand.u32 $0xF, s5;
	s5 =	smov.u32 s1;
	v5 =	vmul.f32 s13, v3;
	s13 =	rddreg [dreg:$0xd]  }
0xcd: {  	v10 =	vmov s26;
	v15 =	vld [tilespmem:s18+$0x400];
	v6 =	vnsel vm0, $0x0, v6;
	vm0 =	veq.s32 v7, v0;
	p1 =	seq.s32 s21, $0x0;
	s1 =	simm.f32 $0.0e+00;
	s18 =	rddreg [dreg:$0xf]  }
0xce: {  	v8 =	vnsel vm0, $0x0, v8;
	vm0 =	veq.s32 v10, v0;
	v10 =	vmov s15;
	s15 =	simm.f32 $0.0e+00;
	[dreg:$0x9] =	wrdreg s0;
	s0 =	sand.u32 $0xF, s24;
	v14 =	vld [tilespmem:s13+$0x180]  }
0xcf: {  	(v2sf) =	vpush v4, $0x0;
	s1 =	simm.s32 @!p4 $0x3F800000;
	s24 =	rddreg [dreg:$0xe];
	v17 =	vld [tilespmem:s18+$0x500];
	s18 =	simm.f32 $0.0e+00  }
0xd0: {  	v1 =	vld [tilespmem:s20+$0x300];
	(v2sf) =	vpush v4, $0x1;
	p4 =	seq.s32 s17, $0x0;
	s17 =	simm.f32 $0.0e+00;
	s18 =	simm.s32 @!p3 $0x3F800000  }
0xd1: {  	v3 =	vimm.f32 $0.0e+00;
	v16 =	vmov s24;
	v8 =	vmul.f32 s1, v8;
	s1 =	simm.f32 $0.0e+00;
	s14 =	simm.s32 @!p4 $0x3F800000;
	s28 =	spop (v2sf)  }
0xd2: {  	v2 =	vadd.f32 v2, v3;
	v3 =	vmul.f32 s23, v6;
	s23 =	rddreg [dreg:$0x9];
	vm2 =	veq.s32 v16, v0;
	s30 =	sand.u32 $0x70, s28;
	s31 =	sand.u32 $0xF, s28  }
0xd3: {  	(v2sf) =	vpush v4, $0x2;
	v9 =	vmov s0;
	p5 =	seq.s32 s28, $0x0;
	v14 =	vnsel vm2, $0x0, v14;
	s28 =	simm.f32 $0.0e+00;
	s0 =	sadd.s32 $0x0, s30  }
0xd4: {  	vm1 =	veq.s32 v9, v0;
	s26 =	spop (v2sf);
	v14 =	vmul.f32 s16, v14;
	s16 =	rddreg [dreg:$0xc];
	s29 =	simm.s32 @!p5 $0x3F800000  }
0xd5: {  	(v2sf) =	vpush v4, $0x3;
	v12 =	vmov s2;
	v9 =	vnsel vm1, $0x0, v1;
	v1 =	vld [tilespmem:s25+$0x480];
	s2 =	sand.u32 $0x70, s26;
	s21 =	sand.u32 $0xF, s26;
	p2 =	seq.s32 s26, $0x0  }
0xd6: {  	(v2sf) =	vpush v4, $0x4;
	vm1 =	veq.s32 v12, v0;
	v12 =	vld [tilespmem:s0+$0x680];
	s0 =	simm.f32 $0.0e+00;
	s22 =	sadd.s32 $0x0, s2;
	s2 =	sadd.s32 $0x0, s12  }
0xd7: {  	v7 =	vmov s4;
	(v2sf) =	vpush v4, $0x5;
	v15 =	vnsel vm0, $0x0, v15;
	s0 =	simm.s32 @!p1 $0x3F800000;
	s1 =	simm.s32 @!p2 $0x3F800000;
	s20 =	spop (v2sf)  }
0xd8: {  	vm0 =	veq.s32 v7, v0;
	(v2sf) =	vpush v4, $0x6;
	v7 =	vmov s21;
	s21 =	simm.s32 $0x20;
	p1 =	seq.s32 s16, $0x0;
	v18 =	vld [tilespmem:s2+$0x380];
	s26 =	sand.u32 $0x70, s20  }
0xd9: {  	(v2sf) =	vpush v4, $0x7;
	v16 =	vmov s31;
	p0 =	seq.s32 s20, $0x0;
	s4 =	sand.u32 $0xF, s20;
	s20 =	spop (v2sf)  }
0xda: {  	vm2 =	veq.s32 v16, v0;
	v19 =	vnsel vm1, $0x0, v1;
	vm1 =	veq.s32 v13, v0;
	s13 =	sadd.s32 $0x0, s26;
	s17 =	simm.s32 @!p0 $0x3F800000;
	p0 =	seq.s32 s19, $0x0  }
0xdb: {  	v16 =	vnsel vm1, $0x0, v17;
	vm1 =	veq.s32 v11, v0;
	(v2sf) =	vpush v4, $0x8;
	v11 =	vld [tilespmem:s22+$0x700];
	s24 =	sand.u32 $0x70, s20;
	s25 =	sand.u32 $0xF, s20;
	p3 =	seq.s32 s20, $0x0  }
0xdc: {  	(v2sf) =	vpush v4, $0x9;
	s20 =	simm.s32 $0x4000;
	s26 =	rddreg [dreg:$0xb];
	s19 =	simm.s32 $0x800  }
0xdd: {  	v3 =	vadd.f32 v2, v3;
	s2 =	sadd.s32 $0x0, s24;
	s24 =	simm.f32 $0.0e+00;
	v13 =	vld [tilespmem:s26+$0x580];
	v1 =	vnsel vm2, $0x0, v12;
	s28 =	simm.s32 @!p3 $0x3F800000;
	v12 =	vnsel vm1, $0x0, v18  }
0xde: {  	(v2sf) =	vpush v4, $0xA;
	v21 =	vmov s25;
	s24 =	simm.s32 @!p6 $0x3F800000;
	v17 =	vld [tilespmem:s2+$0x800];
	s2 =	simm.f32 $0.0e+00;
	v20 =	vmul.f32 s0, v12;
	s0 =	simm.f32 $0.0e+00  }
0xdf: {  	(v2sf) =	vpush v4, $0xB;
	vm2 =	veq.s32 v21, v0;
	vm1 =	veq.s32 v7, v0;
	s2 =	simm.s32 @!p0 $0x3F800000;
	v12 =	vld [tilespmem:s13+$0x780];
	s13 =	spop (v2sf);
	s0 =	simm.s32 @!p1 $0x3F800000  }
0xe0: {  	(v2sf) =	vpush v4, $0xC;
	v18 =	vmul.f32 s18, v9;
	v2 =	vnsel vm1, $0x0, v11;
	p1 =	seq.s32 s5, $0x0;
	s18 =	sand.u32 $0x70, s13;
	s22 =	sand.u32 $0xF, s13  }
0xe1: {  	v9 =	vmov s4;
	v7 =	vmul.f32 s14, v15;
	s14 =	spop (v2sf);
	v2 =	vmul.f32 s1, v2;
	p0 =	seq.s32 s13, $0x0;
	s15 =	simm.s32 @!p1 $0x3F800000  }
0xe2: {  	v6 =	vnsel vm0, $0x0, v13;
	vm0 =	veq.s32 v9, v0;
	v9 =	vmul.f32 s0, v19;
	s4 =	sadd.s32 $0x800, s18;
	s25 =	sand.u32 $0xF, s14;
	s0 =	spop (v2sf)  }
0xe3: {  	v15 =	vld [tilespmem:s23+$0x600];
	s26 =	sand.u32 $0x70, s14;
	(v2sf) =	vpush v4, $0xD;
	p1 =	seq.s32 s14, $0x0;
	v13 =	vnsel vm2, $0x0, v17;
	s5 =	sand.u32 $0x70, s0;
	v17 =	vadd.f32 v3, v14  }
0xe4: {  	v63 =	vmov s22;
	v19 =	vld [tilespmem:s4+$0x80];
	s30 =	spop (v2sf);
	s18 =	sadd.s32 $0x800, s26;
	v22 =	vmov s25;
	(v2sf) =	vpush v4, $0xE;
	s16 =	sand.u32 $0xF, s0  }
0xe5: {  	s12 =	sadd.s32 $0x800, s5;
	s4 =	spop (v2sf);
	s23 =	sand.u32 $0x70, s30;
	v11 =	vnsel vm0, $0x0, v12;
	v12 =	vmul.f32 s2, v6;
	v6 =	vld [tilespmem:s18+$0x100];
	v8 =	vadd.f32 v17, v8  }
0xe6: {  	v14 =	vmul.f32 s15, v16;
	vm1 =	veq.s32 v63, v0;
	(v2sf) =	vpush v4, $0xF;
	s18 =	sand.u32 $0xF, s4;
	s31 =	spop (v2sf);
	s22 =	sand.u32 $0x70, s4  }
0xe7: {  	vm0 =	veq.s32 v10, v0;
	s2 =	simm.f32 $0.0e+00;
	s15 =	sadd.s32 $0x800, s23;
	v3 =	vmul.f32 s17, v11;
	s17 =	sand.u32 $0xF, s30;
	v8 =	vadd.f32 v8, v5  }
0xe8: {  	s26 =	spop (v2sf);
	v11 =	vmov s18;
	v17 =	vnsel vm0, $0x0, v15;
	s2 =	simm.s32 @!p0 $0x3F800000;
	vm0 =	veq.s32 v22, v0;
	s5 =	sand.u32 $0xF, s31  }
0xe9: {  	s1 =	sadd.s32 $0x800, s22;
	s22 =	sand.u32 $0x70, s31;
	v10 =	vmov s17;
	s25 =	spop (v2sf);
	v5 =	vnsel vm1, $0x0, v19;
	v18 =	vadd.f32 v8, v18  }
0xea: {  	v16 =	vld [tilespmem:s15+$0x200];
	s13 =	sand.u32 $0xF, s26;
	s18 =	sand.u32 $0xF, s25;
	v5 =	vmul.f32 s2, v5;
	v8 =	vmov s5;
	s23 =	spop (v2sf);
	v6 =	vnsel vm0, $0x0, v6  }
0xeb: {  	s17 =	sand.u32 $0x70, s26;
	v15 =	vld [tilespmem:s1+$0x280];
	s1 =	sadd.s32 $0x800, s22;
	vm0 =	veq.s32 v10, v0;
	v10 =	vmov s18;
	s22 =	spop (v2sf);
	v4 =	vadd.f32 v18, v20  }
.LBB2_4:
0xec: {  	s2 =	sand.u32 $0x70, s23;
	s15 =	sand.u32 $0xF, s23  }
0xed: {  	v18 =	vld [tilespmem:s1+$0x300];
	s1 =	smov.u32 s20;
	p0 =	seq.s32 s4, $0x0;
	s18 =	sand.u32 $0x70, s25  }
0xee: {  	v13 =	vmul.f32 s28, v13;
	s28 =	sand.u32 $0x70, s22;
	v17 =	vmul.f32 s24, v17;
	s24 =	sand.u32 $0xF, s22;
	p2 =	seq.s32 s0, $0x0  }
0xef: {  	s0 =	simm.f32 $0.0e+00;
	p4 =	seq.s32 s30, $0x0;
	p3 =	seq.s32 s26, $0x0  }
0xf0: {  	vm1 =	veq.s32 v11, v0;
	s26 =	sadd.s32 s19, s17;
	v7 =	vadd.f32 v4, v7;
	s18 =	sadd.s32 s19, s18;
	s0 =	simm.s32 @!p1 $0x3F800000  }
0xf1: {  	s2 =	sadd.s32 s19, s2;
	v16 =	vnsel vm0, $0x0, v16;
	vm0 =	veq.s32 v10, v0;
	v10 =	vmov s15;
	s15 =	sadd.s32 s19, s28;
	s28 =	simm.f32 $0.0e+00  }
0xf2: {  	v4 =	vld [tilespmem:s21+$0x0];
	s21 =	sadd.s32 $0x10, s21;
	v7 =	vadd.f32 v7, v9;
	v9 =	vnsel vm1, $0x0, v15;
	s28 =	simm.s32 @!p0 $0x3F800000;
	s14 =	spop (v2sf)  }
0xf3: {  	v20 =	vld [tilespmem:s12+$0x180];
	vm1 =	veq.s32 v8, v0;
	p0 =	seq.s32 s31, $0x0;
	v8 =	vmul.f32 s28, v9;
	s28 =	simm.f32 $0.0e+00;
	s4 =	spop (v2sf)  }
0xf4: {  	v1 =	vmul.f32 s29, v1;
	v15 =	vld [tilespmem:s15+$0x500];
	s5 =	sand.u32 $0x70, s14;
	s12 =	sand.u32 $0xF, s14;
	s29 =	sand.u32 $0x70, s4  }
0xf5: {  	v19 =	vmov s13;
	v9 =	vnsel vm1, $0x0, v18;
	v18 =	vld [tilespmem:s18+$0x400];
	s5 =	sadd.s32 s19, s5;
	s13 =	spop (v2sf);
	s15 =	sand.u32 $0xF, s4  }
0xf6: {  	v21 =	vmov s24;
	v7 =	vadd.f32 v7, v14;
	v14 =	vld [tilespmem:s5+$0x580];
	s18 =	sadd.s32 s19, s29;
	s24 =	sand.u32 $0x70, s13;
	s5 =	sand.u32 $0xF, s13  }
0xf7: {  	v23 =	vmov s16;
	v11 =	vmov s15;
	s16 =	spop (v2sf);
	s15 =	simm.f32 $0.0e+00;
	p5 =	seq.s32 s13, $0x0  }
0xf8: {  	v22 =	vmov s12;
	s29 =	simm.f32 $0.0e+00;
	s13 =	simm.f32 $0.0e+00;
	s12 =	sadd.s32 s19, s24  }
0xf9: {  	vm1 =	veq.s32 v10, v0;
	(v2sf) =	vpush v4, $0x0;
	v10 =	vld [tilespmem:s18+$0x600];
	s15 =	simm.s32 @!p2 $0x3F800000;
	s18 =	sand.u32 $0x70, s16;
	s24 =	sand.u32 $0xF, s16  }
0xfa: {  	v7 =	vadd.f32 v7, v12;
	v12 =	vld [tilespmem:s2+$0x480];
	(v2sf) =	vpush v4, $0x1;
	v58 =	vmov s5;
	p1 =	seq.s32 s16, $0x0;
	s5 =	spop (v2sf);
	s29 =	simm.s32 @!p5 $0x3F800000  }
0xfb: {  	(v2sf) =	vpush v4, $0x2;
	v24 =	vld [tilespmem:s12+$0x680];
	s12 =	sadd.s32 s19, s18;
	s2 =	simm.s32 @!p1 $0x0;
	s18 =	sand.u32 $0x70, s5  }
0xfc: {  	(v2sf) =	vpush v4, $0x3;
	v59 =	vmov s24;
	s24 =	sand.u32 $0xF, s5;
	p2 =	seq.s32 s5, $0x0;
	s2 =	simm.s32 @p1 $0x1  }
0xfd: {  	v7 =	vadd.f32 v7, v17;
	(v2sf) =	vpush v4, $0x4;
	v60 =	vld [tilespmem:s12+$0x700];
	s12 =	simm.f32 $0.0e+00;
	p1 =	sne.s32 s20, $0x6000;
	s20 =	sadd.s32 $0x2000, s20  }
0xfe: {  	[smem:$0x7FC] =	sst s2;
	s2 =	simm.f32 $0.0e+00;
	s12 =	simm.s32 @!p2 $0x3F800000  }
0xff: {  	v1 =	vadd.f32 v7, v1;
	p2 =	seq.s32 s14, $0x0;
	s14 =	simm.f32 $0.0e+00;
	s2 =	simm.s32 @!p4 $0x3F800000  }
0x100: {  	vm2 =	veq.s32 v23, v0;
	p4 =	seq.s32 s25, $0x0;
	s25 =	spop (v2sf);
	s14 =	simm.s32 @!p0 $0x3F800000  }
0x101: {  	v20 =	vnsel vm2, $0x0, v20;
	v2 =	vadd.f32 v1, v2;
	p0 =	seq.s32 s4, $0x0;
	s4 =	simm.s32 @!p1 $0x0;
	s16 =	sld [smem:$0x7FC]  }
0x102: {  	v18 =	vnsel vm0, $0x0, v18;
	v7 =	vld [tilespmem:s26+$0x380];
	v12 =	vnsel vm1, $0x0, v12;
	s13 =	simm.s32 @!p2 $0x3F800000;
	v16 =	vmul.f32 s2, v16;
	s2 =	sadd.s32 s19, s18;
	s26 =	sand.u32 $0x70, s25  }
0x103: {  	v17 =	vmul.f32 s15, v20;
	v2 =	vadd.f32 v2, v3;
	(v2sf) =	vpush v4, $0x5;
	s5 =	sand.u32 $0xF, s25;
	p6 =	seq.s32 s25, $0x0;
	s4 =	simm.s32 @p1 $0x1  }
0x104: {  	(v2sf) =	vpush v4, $0x6;
	v61 =	vmul.f32 s14, v9;
	v9 =	vmov s24;
	s24 =	simm.f32 $0.0e+00;
	s14 =	simm.f32 $0.0e+00;
	s15 =	sadd.s32 s19, s26  }
0x105: {  	vm1 =	veq.s32 v21, v0;
	v2 =	vadd.f32 v2, v13;
	(v2sf) =	vpush v4, $0x7;
	v3 =	vld [tilespmem:s2+$0x780];
	[smem:$0x7FD] =	sst s4;
	s4 =	simm.f32 $0.0e+00;
	s2 =	simm.f32 $0.0e+00  }
0x106: {  	v15 =	vnsel vm1, $0x0, v15;
	vm1 =	veq.s32 v19, v0;
	(v2sf) =	vpush v4, $0x8;
	s24 =	simm.s32 @!p0 $0x3F800000;
	p0 =	seq.s32 s23, $0x0;
	s28 =	simm.s32 @!p6 $0x3F800000  }
0x107: {  	v2 =	vadd.f32 v5, v2;
	v5 =	vmul.f32 s0, v6;
	s0 =	simm.f32 $0.0e+00;
	s19 =	sshra.s32 s1, $0x2;
	s4 =	simm.s32 @!p3 $0x3F800000;
	(v2sf) =	vpush v4, $0x9  }
0x108: {  	vm0 =	veq.s32 v22, v0;
	vm2 =	veq.s32 v58, v0;
	v7 =	vnsel vm1, $0x0, v7;
	p1 =	seq.s32 s16, $0x1;
	s0 =	simm.s32 @!p0 $0x3F800000;
	s1 =	spop (v2sf)  }
0x109: {  	vm1 =	veq.s32 v59, v0;
	v1 =	vnsel vm2, $0x0, v24;
	v6 =	vnsel vm0, $0x0, v14;
	v19 =	vld [tilespmem:s15+$0x800];
	p0 =	seq.s32 s22, $0x0;
	s2 =	simm.s32 @!p1 $0x3F800000;
	s15 =	spop (v2sf)  }
0x10a: {  	vm0 =	veq.s32 v9, v0;
	v62 =	vmul.f32 s4, v7;
	s4 =	simm.f32 $0.0e+00;
	v9 =	vmul.f32 s0, v12;
	s14 =	simm.s32 @!p0 $0x3F800000;
	s0 =	spop (v2sf)  }
0x10b: {  	v7 =	vmov s5;
	v5 =	vadd.f32 v2, v5;
	s4 =	simm.s32 @!p4 $0x3F800000;
	v14 =	vmul.f32 s14, v15;
	s14 =	simm.f32 $0.0e+00;
	s30 =	spop (v2sf)  }
0x10c: {  	(v2sf) =	vpush v4, $0xA;
	vm2 =	veq.s32 v7, v0;
	v7 =	vmul.f32 s4, v18;
	s18 =	sand.u32 $0x70, s1;
	s22 =	sand.u32 $0xF, s1;
	s4 =	spop (v2sf)  }
0x10d: {  	v12 =	vnsel vm1, $0x0, v60;
	(v2sf) =	vpush v4, $0xB;
	v5 =	vadd.f32 v5, v17;
	p0 =	seq.s32 s1, $0x0;
	s23 =	sadd.s32 s19, s18;
	s18 =	sand.u32 $0x70, s4  }
0x10e: {  	v2 =	vmul.f32 s2, v12;
	v12 =	vmul.f32 s13, v6;
	v3 =	vnsel vm0, $0x0, v3;
	s26 =	sand.u32 $0x70, s15;
	s1 =	sadd.s32 s19, s18;
	s18 =	sld [smem:$0x7FD]  }
0x10f: {  	vm0 =	veq.s32 v11, v0;
	v13 =	vnsel vm2, $0x0, v19;
	v5 =	vadd.f32 v5, v16;
	s25 =	sand.u32 $0xF, s15;
	v19 =	vld [tilespmem:s23+$0x80];
	s5 =	sand.u32 $0x70, s0;
	s2 =	sadd.s32 s19, s26  }
0x110: {  	v3 =	vmul.f32 s12, v3;
	(v2sf) =	vpush v4, $0xC;
	v18 =	vmov s22;
	s14 =	simm.s32 @!p0 $0x3F800000;
	p1 =	seq.s32 s15, $0x0;
	s12 =	sadd.s32 s19, s5;
	v6 =	vld [tilespmem:s2+$0x100]  }
0x111: {  	v63 =	vmov s25;
	vm1 =	veq.s32 v18, v0;
	v18 =	vadd.f32 v5, v8;
	s16 =	sand.u32 $0xF, s30;
	s22 =	sand.u32 $0x70, s30;
	p0 =	seq.s32 s18, $0x1  }
.Ltmp1:
0x112: {  	v17 =	vnsel vm0, $0x0, v10;
	vm0 =	veq.s32 v63, v0;
	s17 =	sand.u32 $0xF, s4;
	s31 =	spop (v2sf);
	(v2sf) =	vpush v4, $0xD;
	(pc) =	sbr.rel @p0 .LBB2_4-.Ltmp1, $4  }
0x113: {  	v15 =	vmov s16;
	s2 =	sadd.s32 s19, s22;
	v18 =	vadd.f32 v18, v61;
	v11 =	vmov s17;
	s26 =	spop (v2sf);
	s23 =	sand.u32 $0xF, s31  }
0x114: {  	s16 =	sand.u32 $0xF, s0;
	s15 =	sand.u32 $0x70, s31;
	s25 =	spop (v2sf);
	(v2sf) =	vpush v4, $0xE;
	v8 =	vmov s23;
	v5 =	vnsel vm1, $0x0, v19  }
0x115: {  	v16 =	vld [tilespmem:s2+$0x200];
	s13 =	sand.u32 $0xF, s26;
	s5 =	sand.u32 $0xF, s25;
	s23 =	spop (v2sf);
	v5 =	vmul.f32 s14, v5;
	v6 =	vnsel vm0, $0x0, v6;
	vm0 =	veq.s32 v15, v0  }
0x116: {  	s17 =	sand.u32 $0x70, s26;
	v15 =	vld [tilespmem:s1+$0x280];
	s1 =	sadd.s32 s19, s15;
	v10 =	vmov s5;
	s22 =	spop (v2sf);
	(v2sf) =	vpush v4, $0xF;
	v4 =	vadd.f32 v18, v62  }
0x117: {  	_ = 	snop  }
0x118: {  	v4 =	vadd.f32 v4, v7;
	_ =	sdelay $0x1  }
0x119: {  	v4 =	vadd.f32 v4, v9;
	_ =	sdelay $0x1  }
0x11a: {  	v4 =	vadd.f32 v4, v14;
	_ =	sdelay $0x1  }
0x11b: {  	v46 =	vmul.f32 s24, v17;
	v4 =	vadd.f32 v4, v12;
	_ =	sdelay $0x1  }
0x11c: {  	v1 =	vmul.f32 s29, v1;
	v4 =	vadd.f32 v4, v46;
	_ =	sdelay $0x1  }
0x11d: {  	v1 =	vadd.f32 v4, v1;
	_ =	sdelay $0x1  }
0x11e: {  	v1 =	vadd.f32 v1, v2;
	_ =	sdelay $0x1  }
0x11f: {  	v47 =	vld [tilespmem:s12+$0x180];
	v2 =	vmul.f32 s28, v13;
	v1 =	vadd.f32 v1, v3;
	_ =	sdelay $0x1  }
0x120: {  	s2 =	simm.f32 $0.0e+00;
	v1 =	vadd.f32 v1, v2  }
0x121: {  	s2 =	simm.s32 @!p1 $0x3F800000;
	v2 =	vmov s16  }
0x122: {  	p0 =	seq.s32 s0, $0x0;
	s12 =	simm.f32 $0.0e+00;
	vm1 =	veq.s32 v2, v0;
	v2 =	vmul.f32 s2, v6;
	v1 =	vadd.f32 v5, v1  }
0x123: {  	s29 =	sand.u32 $0x70, s23;
	s14 =	sand.u32 $0xF, s23;
	s12 =	simm.s32 @!p0 $0x3F800000;
	v3 =	vnsel vm1, $0x0, v47  }
0x124: {  	v48 =	vld [tilespmem:s1+$0x300];
	s1 =	simm.f32 $0.0e+00;
	s15 =	sand.u32 $0x70, s25;
	p0 =	seq.s32 s30, $0x0;
	v3 =	vmul.f32 s12, v3;
	v1 =	vadd.f32 v1, v2  }
0x125: {  	s18 =	sand.u32 $0x70, s22;
	s30 =	sadd.s32 s19, s17;
	s1 =	simm.s32 @!p0 $0x3F800000;
	v2 =	vnsel vm0, $0x0, v16  }
0x126: {  	vm4 =	veq.s32 v11, v0;
	p1 =	seq.s32 s4, $0x0;
	s17 =	sadd.s32 s19, s15;
	v49 =	vld [tilespmem:s30+$0x380];
	s16 =	simm.f32 $0.0e+00;
	v2 =	vmul.f32 s1, v2;
	v1 =	vadd.f32 v1, v3  }
0x127: {  	s4 =	simm.f32 $0.0e+00;
	p0 =	seq.s32 s31, $0x0;
	s16 =	simm.s32 @!p1 $0x3F800000;
	v3 =	vnsel vm4, $0x0, v15  }
0x128: {  	vm5 =	veq.s32 v8, v0;
	s21 =	sand.u32 $0xF, s22;
	s15 =	sadd.s32 s19, s18;
	v50 =	vld [tilespmem:s17+$0x400];
	s4 =	simm.s32 @!p0 $0x3F800000;
	v3 =	vmul.f32 s16, v3;
	v1 =	vadd.f32 v1, v2  }
0x129: {  	p0 =	seq.s32 s26, $0x0;
	s0 =	spop (v2sf);
	v4 =	vnsel vm5, $0x0, v48;
	s2 =	sadd.s32 s19, s29;
	v2 =	vmov s13  }
0x12a: {  	s5 =	sand.u32 $0x70, s0;
	s24 =	sand.u32 $0xF, s0;
	v4 =	vmul.f32 s4, v4;
	v51 =	vld [tilespmem:s2+$0x480];
	s2 =	simm.f32 $0.0e+00;
	vm6 =	veq.s32 v2, v0;
	v1 =	vadd.f32 v1, v3  }
0x12b: {  	s12 =	sadd.s32 s19, s5;
	s2 =	simm.s32 @!p0 $0x3F800000;
	s1 =	spop (v2sf);
	v2 =	vnsel vm6, $0x0, v49  }
0x12c: {  	vm7 =	veq.s32 v10, v0;
	p0 =	seq.s32 s25, $0x0;
	s20 =	sand.u32 $0x70, s1;
	v3 =	vld [tilespmem:s15+$0x500];
	v2 =	vmul.f32 s2, v2;
	s2 =	simm.f32 $0.0e+00;
	v1 =	vadd.f32 v1, v4  }
0x12d: {  	v52 =	vmov s14;
	v53 =	vnsel vm7, $0x0, v50;
	s25 =	sand.u32 $0xF, s1;
	s26 =	sadd.s32 s19, s20;
	s2 =	simm.s32 @!p0 $0x3F800000  }
0x12e: {  	vm8 =	veq.s32 v52, v0;
	v54 =	vld [tilespmem:s12+$0x580];
	s15 =	spop (v2sf);
	p0 =	seq.s32 s23, $0x0;
	v5 =	vmul.f32 s2, v53;
	s2 =	simm.f32 $0.0e+00;
	v1 =	vadd.f32 v1, v2  }
0x12f: {  	v55 =	vnsel vm8, $0x0, v51;
	s28 =	sand.u32 $0x70, s15;
	s29 =	sand.u32 $0xF, s15;
	v2 =	vmov s21;
	s2 =	simm.s32 @!p0 $0x3F800000  }
0x130: {  	v56 =	vld [tilespmem:s26+$0x600];
	s30 =	spop (v2sf);
	p0 =	seq.s32 s22, $0x0;
	vm9 =	veq.s32 v2, v0;
	v2 =	vmul.f32 s2, v55;
	s2 =	simm.f32 $0.0e+00;
	v1 =	vadd.f32 v1, v5  }
0x131: {  	v57 =	vmov s24;
	s4 =	sadd.s32 s19, s28;
	s31 =	sand.u32 $0x70, s30;
	v3 =	vnsel vm9, $0x0, v3;
	s2 =	simm.s32 @!p0 $0x3F800000  }
0x132: {  	vm10 =	veq.s32 v57, v0;
	s5 =	sand.u32 $0xF, s30;
	v58 =	vld [tilespmem:s4+$0x680];
	p0 =	seq.s32 s0, $0x0;
	s0 =	simm.f32 $0.0e+00;
	v3 =	vmul.f32 s2, v3;
	v1 =	vadd.f32 v1, v2  }
0x133: {  	s18 =	spop (v2sf);
	v4 =	vnsel vm10, $0x0, v54;
	s17 =	sadd.s32 s19, s31;
	s0 =	simm.s32 @!p0 $0x3F800000;
	v2 =	vmov s25  }
0x134: {  	s20 =	sand.u32 $0x70, s18;
	v59 =	vld [tilespmem:s17+$0x700];
	p0 =	seq.s32 s1, $0x0;
	s1 =	simm.f32 $0.0e+00;
	v4 =	vmul.f32 s0, v4;
	vm11 =	veq.s32 v2, v0;
	v1 =	vadd.f32 v1, v3  }
0x135: {  	s21 =	sadd.s32 s19, s20;
	s22 =	spop (v2sf);
	s1 =	simm.s32 @!p0 $0x3F800000;
	v2 =	vmov s29;
	v3 =	vnsel vm11, $0x0, v56  }
0x136: {  	s23 =	sand.u32 $0x70, s22;
	p0 =	seq.s32 s15, $0x0;
	s0 =	simm.f32 $0.0e+00;
	vm12 =	veq.s32 v2, v0;
	v2 =	vld [tilespmem:s21+$0x780];
	v3 =	vmul.f32 s1, v3;
	v1 =	vadd.f32 v1, v4  }
0x137: {  	v60 =	vmov s5;
	s24 =	sadd.s32 s19, s23;
	s0 =	simm.s32 @!p0 $0x3F800000;
	v6 =	vnsel vm12, $0x0, v58  }
0x138: {  	vm13 =	veq.s32 v60, v0;
	v61 =	vld [tilespmem:s24+$0x800];
	s25 =	sand.u32 $0xF, s18;
	p0 =	seq.s32 s30, $0x0;
	s1 =	simm.f32 $0.0e+00;
	v62 =	vmul.f32 s0, v6;
	v1 =	vadd.f32 v1, v3  }
0x139: {  	v5 =	vnsel vm13, $0x0, v59;
	s1 =	simm.s32 @!p0 $0x3F800000;
	v3 =	vmov s25  }
0x13a: {  	s26 =	sand.u32 $0xF, s22;
	p0 =	seq.s32 s18, $0x0;
	s0 =	simm.f32 $0.0e+00;
	vm14 =	veq.s32 v3, v0;
	v3 =	vmul.f32 s1, v5;
	v1 =	vadd.f32 v1, v62  }
0x13b: {  	v63 =	vmov s26;
	s0 =	simm.s32 @!p0 $0x3F800000;
	v2 =	vnsel vm14, $0x0, v2  }
0x13c: {  	vm15 =	veq.s32 v63, v0;
	p0 =	seq.s32 s22, $0x0;
	s1 =	simm.f32 $0.0e+00;
	v2 =	vmul.f32 s0, v2;
	v1 =	vadd.f32 v1, v3  }
0x13d: {  	s1 =	simm.s32 @!p0 $0x3F800000;
	v3 =	vnsel vm15, $0x0, v61  }
0x13e: {  	v3 =	vmul.f32 s1, v3;
	v1 =	vadd.f32 v1, v2;
	_ =	sdelay $0x1  }
0x13f: {  	v1 =	vadd.f32 v1, v3;
	_ =	sdelay $0x1  }
0x140: {  	s28 =	rddreg [dreg:$0x5];
	s29 =	simm.s32 $0x2080;
	s1 =	simm.s32 $0x2;
	[tilespmem:$0x2080] =	vst v1  }
0x141: {  	[hbm4b:s28+s3] =	stream.linear.scatter [tilespmem:s29], [sflag:$0x2], $0x80, $0x38;
	[tilespmem:$0x2100] =	vst v63  }
0x142: {  	_ =	swait.ge [sflag:s1], $0x80  }
0x143: {  	s30 =	rddreg [dreg:$0x8]  }
0x144: {  	s31 =	rddreg [dreg:$0x6];
	s2 =	sadd.s32 $0x1, s30  }
0x145: {  	p0 =	sne.s32 s2, s31  }
.Ltmp2:
0x146: {  	_ = 	snop;
	(pc) =	sbr.rel @p0 .LBB2_1-.Ltmp2, $4  }
0x147: {  	_ = 	snop  }
0x148: {  	[sflag:s1] =	ssyncset.done $0x0  }
0x149: {  	s5 =	rddreg [dreg:$0xa];
	[sflag:s1] =	ssyncadd.s32 $0xFFFFFF80  }
0x14a: {  	s13 =	rddreg [dreg:$0x0]  }
0x14b: {  	_ =	sfence.sel $0x180000  }
0x14c: {  	[bflag:$0x0] =	sbarrier.arrive $0xFFFF  }
0x14d: {  	_ =	strace $0x90000047  }
0x14e: {  	s0 =	stileid.u32;
	[bflag:$0x2] =	sbarrier.arrive $0xFFFF  }
0x14f: {  	p0 =	sne.s32 s0, $0x0;
	s0 =	rddreg [dreg:$0x3]  }
0x150: {  	s0 =	sadd.s32 @!p0 $0x100000, s0  }
0x151: {  	[sflag:s0] =	ssyncadd.tile.s32 @!p0 $0x1;
	_ =	shalt  }
.Lfunc_end2:
_tile_overlayer_lowered:
.L_overlay_start_2:
0x152: {  	(tag) =	ssettag $0x2  }
0x153: {  	s0 =	rddreg [dreg:$0x0];
	s2 =	stileid.u32  }
0x154: {  	s1 =	rddreg [dreg:$0x1];
	p0 =	sne.s32 s2, $0x0  }
0x155: {  	s3 =	rddreg [dreg:$0x2];
	[bflag:$0x3] =	sbarrier.arrive $0xFFFF;
	s2 =	simm.s32 @!p0 $0x1C02  }
0x156: {  	[timem:s3], [sflag:s2] =	dma.local @!p0 [hbm:s0], s1  }
0x157: {  	s0 =	simm.s32 @!p0 $0x2  }
0x158: {  	_ =	swait.ge @!p0 [sflag:s0], s1  }
0x159: {  	s1 =	ssub.s32 @!p0 $0x0, s1;
	[sflag:s0] =	ssyncset.done @!p0 $0x0  }
0x15a: {  	[sflag:s0] =	ssyncadd.s32 @!p0 s1  }
0x15b: {  	[bflag:$0x3] =	sbarrier.arrive $0xFFFF  }
0x15c: {  	_ =	shalt  }

</sc_bundles>
